<compile_context>
chip_gen: v7x
topology: tpu7x:2x2x1
jax: 0.10.2.dev20260603
libtpu: 0.0.44.dev20260713+nightly
codegen_flags: <defaults>
</compile_context>

<pallas_src>
import jax
import jax.numpy as jnp
from jax import lax
from jax.experimental import pallas as pl
from jax.experimental.pallas import tpu as pltpu
from jax.experimental.pallas import tpu_sc as plsc

B, D, H, W, M = 32, 4, 128, 128, 128
HW = H * W
L = 16
NS = 16
BPT = B // NS
NJ = BPT * M // L


def _take16(x, idx):
    dn = lax.GatherDimensionNumbers(
        offset_dims=(), collapsed_slice_dims=(0,), start_index_map=(0,))
    return lax.gather(x, idx[:, None], dn, slice_sizes=(1,),
                      mode=lax.GatherScatterMode.PROMISE_IN_BOUNDS)


def _sc_body(out_hbm, mask_hbm, ind_hbm, targ_hbm, res_hbm,
             ind_v, mask_v, targ_v, idx_v, pred_v, part_v, outv,
             shared, sem_i, sem_t, *sem_g):
    sid = lax.axis_index("s")
    lane = lax.iota(jnp.int32, L)

    cp_ind = pltpu.async_copy(
        ind_hbm.at[pl.ds(sid * BPT * M, BPT * M)], ind_v, sem_i)
    cp_mask = pltpu.async_copy(
        mask_hbm.at[pl.ds(sid * BPT * M, BPT * M)], mask_v, sem_t)
    cp_targ = pltpu.async_copy(
        targ_hbm.at[pl.ds(sid * BPT * M * D, BPT * M * D)], targ_v, sem_t)

    @pl.when(sid == 0)
    def _init():
        part_v[...] = jnp.zeros((L,), jnp.float32)
        pltpu.sync_copy(part_v, shared)
    plsc.subcore_barrier()

    cp_ind.wait()

    lq = lane >> 2
    ld = lane & (D - 1)
    sels = [q * 4 + lq for q in range(4)]
    dbase = ld * HW

    def idx_body(j, _):
        iv = ind_v[pl.ds(j * L, L)]
        bl = j // (M // L)
        base = (sid * BPT + bl) * (D * HW) + dbase
        for q in range(4):
            ivq = _take16(iv, sels[q])
            idx_v[pl.ds((j * 4 + q) * L, L)] = base + ivq
        return 0

    NR = BPT * D

    def fire(r, sem):
        pltpu.async_copy(out_hbm.at[idx_v.at[pl.ds(r * M, M)]],
                         pred_v.at[pl.ds(r * M, M)], sem)
        return 0

    NG = len(sem_g)
    for g in range(NG):
        lax.fori_loop(g * NJ // NG, (g + 1) * NJ // NG, idx_body, 0)
        lax.fori_loop(g * NR // NG, (g + 1) * NR // NG,
                      lambda r, _, s=sem_g[g]: fire(r, s), 0)

    def sum_body(j, carry):
        acc, accm = carry
        mvi = mask_v[pl.ds(j * L, L)].astype(jnp.float32)
        accm = accm + mvi
        for q in range(4):
            mv = _take16(mvi, sels[q])
            pv = pred_v[pl.ds((j * 4 + q) * L, L)]
            tv = targ_v[pl.ds((j * 4 + q) * L, L)]
            acc = acc + mv * jnp.abs(pv - tv)
        return acc, accm

    cp_mask.wait()
    cp_targ.wait()
    quarter = BPT * M * D // NG
    zero = jnp.zeros((L,), jnp.float32)
    carry = (zero, zero)
    for g in range(NG):
        pltpu.make_async_copy(
            out_hbm.at[pl.ds(0, quarter)],
            pred_v.at[pl.ds(g * quarter, quarter)], sem_g[g]).wait()
        carry = lax.fori_loop(g * NJ // NG, (g + 1) * NJ // NG,
                              sum_body, carry)
    acc, accm = carry

    y = acc + _take16(acc, lane ^ 4)
    y = y + _take16(y, lane ^ 8)
    for sh in (1, 2, 4, 8):
        accm = accm + _take16(accm, lane ^ sh)
    part = jnp.where(lane < D, y, 0.0)
    part = jnp.where(lane == D, accm, part)
    part_v[...] = part
    pltpu.sync_copy(part_v, shared.at[lane], add=True)

    plsc.subcore_barrier()

    @pl.when(sid == 0)
    def _final():
        pltpu.sync_copy(shared, outv)
        tot = outv[...]
        msum = _take16(tot, jnp.full((L,), D, jnp.int32))
        outv[...] = jnp.where(lane < D, tot, 0.0) / (msum + 1e-4)
        pltpu.sync_copy(outv.at[pl.ds(0, D)], res_hbm)


_sc_call = pl.kernel(
    _sc_body,
    out_type=jax.ShapeDtypeStruct((D,), jnp.float32),
    mesh=plsc.VectorSubcoreMesh(
        core_axis_name="c", subcore_axis_name="s", num_cores=1),
    scratch_types=[
        pltpu.VMEM((BPT * M,), jnp.int32),
        pltpu.VMEM((BPT * M,), jnp.int32),
        pltpu.VMEM((BPT * M * D,), jnp.float32),
        pltpu.VMEM((BPT * M * D,), jnp.int32),
        pltpu.VMEM((BPT * M * D,), jnp.float32),
        pltpu.VMEM((L,), jnp.float32),
        pltpu.VMEM((L,), jnp.float32),
        pltpu.VMEM_SHARED((L,), jnp.float32),
        pltpu.SemaphoreType.DMA,
        pltpu.SemaphoreType.DMA,
        pltpu.SemaphoreType.DMA,
        pltpu.SemaphoreType.DMA,
        pltpu.SemaphoreType.DMA,
        pltpu.SemaphoreType.DMA,
    ],
)


def kernel(output, mask, ind, target):
    return _sc_call(output.reshape(-1), mask.reshape(-1), ind.reshape(-1),
                    target.reshape(-1))

# --- scband reference (transcript-rebuilt; emitter-appended) ---
"""Pipeline reference for scband-reg-loss-661424964286 (READ-ONLY COPY).

The authoritative reference and input builder live on the scoring server;
editing this copy changes nothing except your own understanding.
"""

import jax, jax.numpy as jnp
import numpy as np


def setup_inputs(seed: int = 0) -> dict:
    key = jax.random.key(seed)
    k1, k2, k3, k4 = jax.random.split(key, 4)
    B, D, H, W, M = 32, 4, 128, 128, 128
    output = jax.random.normal(k1, (B, D, H, W), dtype=jnp.float32)
    mask = jax.random.randint(k2, (B, M), 0, 2, dtype=jnp.int32)
    ind = jax.random.randint(k3, (B, M), 0, H * W, dtype=jnp.int32)
    target = jax.random.normal(k4, (B, M, D), dtype=jnp.float32)
    return {"output": output, "mask": mask, "ind": ind, "target": target}


def reference(output, mask, ind, target):
    B, D, H, W = output.shape
    M = ind.shape[1]
    # _transpose_and_gather_feat: (B, D, H, W) -> (B, H*W, D) then gather rows at ind
    feat = jnp.transpose(output, (0, 2, 3, 1)).reshape(B, H * W, D)
    idx = jnp.broadcast_to(ind[:, :, None].astype(jnp.int32), (B, M, D))
    pred = jnp.take_along_axis(feat, idx, axis=1)  # (B, M, D)
    m = mask.astype(jnp.float32)[:, :, None]  # (B, M, 1)
    loss = jnp.abs(pred * m - target * m)  # l1_loss reduction='none'
    loss = loss / (m.sum() + 0.0001)
    # transpose(2, 0) -> (D, M, B); sum(dim=2) -> (D, M); sum(dim=1) -> (D,)
    loss = jnp.transpose(loss, (2, 1, 0)).sum(axis=2).sum(axis=1)
    return loss

if __name__ == "__main__":
    import jax
    _d = setup_inputs()
    print(jax.jit(kernel)(*tuple(_d.values())))

</pallas_src>

<mosaic_0001>
#map = affine_map<(d0, d1) -> (0)>
module attributes {stable_mosaic.version = 14 : i64} {
  func.func @_sc_body(%arg0: i32, %arg1: i32, %arg2: memref<2097152xf32, #tpu.memory_space<hbm>>, %arg3: memref<4096xi32, #tpu.memory_space<hbm>>, %arg4: memref<4096xi32, #tpu.memory_space<hbm>>, %arg5: memref<16384xf32, #tpu.memory_space<hbm>>, %arg6: memref<4xf32, #tpu.memory_space<hbm>>, %arg7: memref<256xi32, #tpu.memory_space<vmem>>, %arg8: memref<256xi32, #tpu.memory_space<vmem>>, %arg9: memref<1024xf32, #tpu.memory_space<vmem>>, %arg10: memref<1024xi32, #tpu.memory_space<vmem>>, %arg11: memref<1024xf32, #tpu.memory_space<vmem>>, %arg12: memref<16xf32, #tpu.memory_space<vmem>>, %arg13: memref<16xf32, #tpu.memory_space<vmem>>, %arg14: memref<16xf32, #tpu.memory_space<vmem_shared>>, %arg15: memref<!tpu.dma_semaphore, #tpu.memory_space<semaphore_mem>>, %arg16: memref<!tpu.dma_semaphore, #tpu.memory_space<semaphore_mem>>, %arg17: memref<!tpu.dma_semaphore, #tpu.memory_space<semaphore_mem>>, %arg18: memref<!tpu.dma_semaphore, #tpu.memory_space<semaphore_mem>>, %arg19: memref<!tpu.dma_semaphore, #tpu.memory_space<semaphore_mem>>, %arg20: memref<!tpu.dma_semaphore, #tpu.memory_space<semaphore_mem>>) attributes {dimension_semantics = [#tpu.dimension_semantics<core_parallel>, #tpu.dimension_semantics<subcore_parallel>], iteration_bounds = array<i64: 1, 16>, scalar_prefetch = 0 : i64, scratch_operands = 14 : i64, tpu.core_type = #tpu.core_type<sc_vector_subcore>, window_params = [{transform_indices = #map}, {transform_indices = #map}, {transform_indices = #map}, {transform_indices = #map}, {transform_indices = #map}]} {
    %iota3A = tpu.iota {dimensions = array<i32: 0>} : vector<16xi32>
    %mul3A = arith.constant 2 : i32
    %mul3A_0 = arith.muli %arg1, %mul3A : i32
    %mul3A_1 = arith.constant 128 : i32
    %mul3A_2 = arith.muli %mul3A_0, %mul3A_1 : i32
    %dma_start3A = tpu.memref_slice %arg4[%mul3A_2] : memref<4096xi32, #tpu.memory_space<hbm>> -> memref<256xi32, #tpu.memory_space<hbm>>
    %dma_start3A_3 = tpu.memref_slice %arg4[%mul3A_2] : memref<4096xi32, #tpu.memory_space<hbm>> -> memref<256xi32, #tpu.memory_space<hbm>>
    tpu.enqueue_dma source(%dma_start3A_3 : memref<256xi32, #tpu.memory_space<hbm>>) target(%arg7 : memref<256xi32, #tpu.memory_space<vmem>>) target_semaphore(%arg15 : memref<!tpu.dma_semaphore, #tpu.memory_space<semaphore_mem>>)
    %mul3A_4 = arith.constant 2 : i32
    %mul3A_5 = arith.muli %arg1, %mul3A_4 : i32
    %mul3A_6 = arith.constant 128 : i32
    %mul3A_7 = arith.muli %mul3A_5, %mul3A_6 : i32
    %dma_start3A_8 = tpu.memref_slice %arg3[%mul3A_7] : memref<4096xi32, #tpu.memory_space<hbm>> -> memref<256xi32, #tpu.memory_space<hbm>>
    %dma_start3A_9 = tpu.memref_slice %arg3[%mul3A_7] : memref<4096xi32, #tpu.memory_space<hbm>> -> memref<256xi32, #tpu.memory_space<hbm>>
    tpu.enqueue_dma source(%dma_start3A_9 : memref<256xi32, #tpu.memory_space<hbm>>) target(%arg8 : memref<256xi32, #tpu.memory_space<vmem>>) target_semaphore(%arg16 : memref<!tpu.dma_semaphore, #tpu.memory_space<semaphore_mem>>)
    %mul3A_10 = arith.constant 2 : i32
    %mul3A_11 = arith.muli %arg1, %mul3A_10 : i32
    %mul3A_12 = arith.constant 128 : i32
    %mul3A_13 = arith.muli %mul3A_11, %mul3A_12 : i32
    %mul3A_14 = arith.constant 4 : i32
    %mul3A_15 = arith.muli %mul3A_13, %mul3A_14 : i32
    %dma_start3A_16 = tpu.memref_slice %arg5[%mul3A_15] : memref<16384xf32, #tpu.memory_space<hbm>> -> memref<1024xf32, #tpu.memory_space<hbm>>
    %dma_start3A_17 = tpu.memref_slice %arg5[%mul3A_15] : memref<16384xf32, #tpu.memory_space<hbm>> -> memref<1024xf32, #tpu.memory_space<hbm>>
    tpu.enqueue_dma source(%dma_start3A_17 : memref<1024xf32, #tpu.memory_space<hbm>>) target(%arg9 : memref<1024xf32, #tpu.memory_space<vmem>>) target_semaphore(%arg16 : memref<!tpu.dma_semaphore, #tpu.memory_space<semaphore_mem>>)
    %eq3A = arith.constant 0 : i32
    %eq3A_18 = arith.cmpi eq, %arg1, %eq3A : i32
    %convert_element_type3A = arith.extui %eq3A_18 : i1 to i32
    %cond3A = arith.constant 0 : i32
    %cond3A_19 = arith.cmpi ne, %convert_element_type3A, %cond3A : i32
    scf.if %cond3A_19 {
      %broadcast_in_dim3A_211 = arith.constant 0.000000e+00 : f32
      %broadcast_in_dim3A_212 = vector.broadcast %broadcast_in_dim3A_211 : f32 to vector<16xf32>
      %swap3A_213 = arith.constant 0 : index
      %swap3A_214 = tpu.vector_load %arg12[%swap3A_213] {strides = array<i32>} : memref<16xf32, #tpu.memory_space<vmem>>, vector<16xf32>,
      %swap3A_215 = vector.shape_cast %swap3A_214 : vector<16xf32> to vector<16xf32>
      %swap3A_216 = vector.shape_cast %broadcast_in_dim3A_212 : vector<16xf32> to vector<16xf32>
      tpu.vector_store %arg12[%swap3A_213], %swap3A_216 {strides = array<i32>} : memref<16xf32, #tpu.memory_space<vmem>>, vector<16xf32>,
      "tpu.region"() ({
        %run_scoped3A = tpu.sem_alloc : memref<!tpu.dma_semaphore, #tpu.memory_space<semaphore_mem>>
        tpu.enqueue_dma source(%arg12 : memref<16xf32, #tpu.memory_space<vmem>>) target(%arg14 : memref<16xf32, #tpu.memory_space<vmem_shared>>) target_semaphore(%run_scoped3A : memref<!tpu.dma_semaphore, #tpu.memory_space<semaphore_mem>>)
        tpu.wait_dma2 semaphore(%run_scoped3A : memref<!tpu.dma_semaphore, #tpu.memory_space<semaphore_mem>>) src(%arg12 : memref<16xf32, #tpu.memory_space<vmem>>) dst(%arg14 : memref<16xf32, #tpu.memory_space<vmem_shared>>)
        tpu.yield
      }) : () -> ()
    } else {
    }
    %barrier3A = arith.constant 0 : index
    tpu.barrier barrier_id(%barrier3A)
    %dma_wait3A = tpu.memref_slice %arg4[%mul3A_2] : memref<4096xi32, #tpu.memory_space<hbm>> -> memref<256xi32, #tpu.memory_space<hbm>>
    %dma_wait3A_20 = tpu.memref_slice %arg4[%mul3A_2] : memref<4096xi32, #tpu.memory_space<hbm>> -> memref<256xi32, #tpu.memory_space<hbm>>
    tpu.wait_dma2 semaphore(%arg15 : memref<!tpu.dma_semaphore, #tpu.memory_space<semaphore_mem>>) src(%dma_wait3A_20 : memref<256xi32, #tpu.memory_space<hbm>>) dst(%arg7 : memref<256xi32, #tpu.memory_space<vmem>>)
    %shift_right_arithmetic3A = arith.constant 2 : i32
    %shift_right_arithmetic3A_21 = vector.broadcast %shift_right_arithmetic3A : i32 to vector<16xi32>
    %shift_right_arithmetic3A_22 = arith.shrsi %iota3A, %shift_right_arithmetic3A_21 : vector<16xi32>
    %and3A = arith.constant 3 : i32
    %and3A_23 = vector.broadcast %and3A : i32 to vector<16xi32>
    %and3A_24 = arith.andi %iota3A, %and3A_23 : vector<16xi32>
    %add3A = arith.constant 0 : i32
    %add3A_25 = vector.broadcast %add3A : i32 to vector<16xi32>
    %add3A_26 = arith.addi %add3A_25, %shift_right_arithmetic3A_22 : vector<16xi32>
    %add3A_27 = arith.constant 4 : i32
    %add3A_28 = vector.broadcast %add3A_27 : i32 to vector<16xi32>
    %add3A_29 = arith.addi %add3A_28, %shift_right_arithmetic3A_22 : vector<16xi32>
    %add3A_30 = arith.constant 8 : i32
    %add3A_31 = vector.broadcast %add3A_30 : i32 to vector<16xi32>
    %add3A_32 = arith.addi %add3A_31, %shift_right_arithmetic3A_22 : vector<16xi32>
    %add3A_33 = arith.constant 12 : i32
    %add3A_34 = vector.broadcast %add3A_33 : i32 to vector<16xi32>
    %add3A_35 = arith.addi %add3A_34, %shift_right_arithmetic3A_22 : vector<16xi32>
    %mul3A_36 = arith.constant 16384 : i32
    %mul3A_37 = vector.broadcast %mul3A_36 : i32 to vector<16xi32>
    %mul3A_38 = arith.muli %and3A_24, %mul3A_37 : vector<16xi32>
    %scan3A = arith.constant 0 : i32
    %scan3A_39 = arith.constant 0 : i32
    %scan3A_40 = arith.constant 4 : i32
    %scan3A_41 = arith.addi %scan3A_39, %scan3A_40 : i32
    %scan3A_42 = arith.constant 1 : i32
    %scan3A_43 = scf.for %scan3A_211 = %scan3A_39 to %scan3A_41 step %scan3A_42 iter_args(%scan3A_212 = %scan3A) -> (i32)  : i32 {
      %mul3A_213 = arith.constant 16 : i32
      %mul3A_214 = arith.muli %scan3A_211, %mul3A_213 : i32
      %get3A = arith.index_cast %mul3A_214 : i32 to index
      %get3A_215 = tpu.vector_load %arg7[%get3A] {strides = array<i32>} : memref<256xi32, #tpu.memory_space<vmem>>, vector<16xi32>,
      %get3A_216 = vector.shape_cast %get3A_215 : vector<16xi32> to vector<16xi32>
      %jit3A_217 = arith.constant 8 : i32
      %div3A = arith.divsi %scan3A_211, %jit3A_217 : i32
      %sign3A = arith.constant 0 : i32
      %sign3A_218 = arith.cmpi sgt, %scan3A_211, %sign3A : i32
      %sign3A_219 = arith.extui %sign3A_218 : i1 to i32
      %sign3A_220 = arith.constant 0 : i32
      %sign3A_221 = arith.cmpi slt, %scan3A_211, %sign3A_220 : i32
      %sign3A_222 = arith.extui %sign3A_221 : i1 to i32
      %sign3A_223 = arith.subi %sign3A_219, %sign3A_222 : i32
      %sign3A_224 = arith.constant 0 : i32
      %sign3A_225 = arith.cmpi sgt, %jit3A_217, %sign3A_224 : i32
      %sign3A_226 = arith.extui %sign3A_225 : i1 to i32
      %sign3A_227 = arith.constant 0 : i32
      %sign3A_228 = arith.cmpi slt, %jit3A_217, %sign3A_227 : i32
      %sign3A_229 = arith.extui %sign3A_228 : i1 to i32
      %sign3A_230 = arith.subi %sign3A_226, %sign3A_229 : i32
      %ne3A = arith.cmpi ne, %sign3A_223, %sign3A_230 : i32
      %rem3A = arith.remsi %scan3A_211, %jit3A_217 : i32
      %ne3A_231 = arith.constant 0 : i32
      %ne3A_232 = arith.cmpi ne, %rem3A, %ne3A_231 : i32
      %and3A_233 = arith.andi %ne3A, %ne3A_232 : i1
      %sub3A = arith.constant 1 : i32
      %sub3A_234 = arith.subi %div3A, %sub3A : i32
      %select_n3A_235 = arith.select %and3A_233, %sub3A_234, %div3A : i32
      %mul3A_236 = arith.constant 2 : i32
      %mul3A_237 = arith.muli %arg1, %mul3A_236 : i32
      %add3A_238 = arith.addi %mul3A_237, %select_n3A_235 : i32
      %mul3A_239 = arith.constant 65536 : i32
      %mul3A_240 = arith.muli %add3A_238, %mul3A_239 : i32
      %add3A_241 = vector.broadcast %mul3A_240 : i32 to vector<16xi32>
      %add3A_242 = arith.addi %add3A_241, %mul3A_38 : vector<16xi32>
      %broadcast_in_dim3A_243 = vector.shape_cast %add3A_26 : vector<16xi32> to vector<16x1xi32>
      %gather3A_244 = vector.shape_cast %broadcast_in_dim3A_243 : vector<16x1xi32> to vector<16xi32>
      %gather3A_245 = tpu.dynamic_gather %get3A_216[%gather3A_244] in [0] : vector<16xi32>, vector<16xi32> -> vector<16xi32>
      %add3A_246 = arith.addi %add3A_242, %gather3A_245 : vector<16xi32>
      %mul3A_247 = arith.constant 4 : i32
      %mul3A_248 = arith.muli %scan3A_211, %mul3A_247 : i32
      %add3A_249 = arith.constant 0 : i32
      %add3A_250 = arith.addi %mul3A_248, %add3A_249 : i32
      %mul3A_251 = arith.constant 16 : i32
      %mul3A_252 = arith.muli %add3A_250, %mul3A_251 : i32
      %swap3A_253 = arith.index_cast %mul3A_252 : i32 to index
      %swap3A_254 = tpu.vector_load %arg10[%swap3A_253] {strides = array<i32>} : memref<1024xi32, #tpu.memory_space<vmem>>, vector<16xi32>,
      %swap3A_255 = vector.shape_cast %swap3A_254 : vector<16xi32> to vector<16xi32>
      %swap3A_256 = vector.shape_cast %add3A_246 : vector<16xi32> to vector<16xi32>
      tpu.vector_store %arg10[%swap3A_253], %swap3A_256 {strides = array<i32>} : memref<1024xi32, #tpu.memory_space<vmem>>, vector<16xi32>,
      %broadcast_in_dim3A_257 = vector.shape_cast %add3A_29 : vector<16xi32> to vector<16x1xi32>
      %gather3A_258 = vector.shape_cast %broadcast_in_dim3A_257 : vector<16x1xi32> to vector<16xi32>
      %gather3A_259 = tpu.dynamic_gather %get3A_216[%gather3A_258] in [0] : vector<16xi32>, vector<16xi32> -> vector<16xi32>
      %add3A_260 = arith.addi %add3A_242, %gather3A_259 : vector<16xi32>
      %mul3A_261 = arith.constant 4 : i32
      %mul3A_262 = arith.muli %scan3A_211, %mul3A_261 : i32
      %add3A_263 = arith.constant 1 : i32
      %add3A_264 = arith.addi %mul3A_262, %add3A_263 : i32
      %mul3A_265 = arith.constant 16 : i32
      %mul3A_266 = arith.muli %add3A_264, %mul3A_265 : i32
      %swap3A_267 = arith.index_cast %mul3A_266 : i32 to index
      %swap3A_268 = tpu.vector_load %arg10[%swap3A_267] {strides = array<i32>} : memref<1024xi32, #tpu.memory_space<vmem>>, vector<16xi32>,
      %swap3A_269 = vector.shape_cast %swap3A_268 : vector<16xi32> to vector<16xi32>
      %swap3A_270 = vector.shape_cast %add3A_260 : vector<16xi32> to vector<16xi32>
      tpu.vector_store %arg10[%swap3A_267], %swap3A_270 {strides = array<i32>} : memref<1024xi32, #tpu.memory_space<vmem>>, vector<16xi32>,
      %broadcast_in_dim3A_271 = vector.shape_cast %add3A_32 : vector<16xi32> to vector<16x1xi32>
      %gather3A_272 = vector.shape_cast %broadcast_in_dim3A_271 : vector<16x1xi32> to vector<16xi32>
      %gather3A_273 = tpu.dynamic_gather %get3A_216[%gather3A_272] in [0] : vector<16xi32>, vector<16xi32> -> vector<16xi32>
      %add3A_274 = arith.addi %add3A_242, %gather3A_273 : vector<16xi32>
      %mul3A_275 = arith.constant 4 : i32
      %mul3A_276 = arith.muli %scan3A_211, %mul3A_275 : i32
      %add3A_277 = arith.constant 2 : i32
      %add3A_278 = arith.addi %mul3A_276, %add3A_277 : i32
      %mul3A_279 = arith.constant 16 : i32
      %mul3A_280 = arith.muli %add3A_278, %mul3A_279 : i32
      %swap3A_281 = arith.index_cast %mul3A_280 : i32 to index
      %swap3A_282 = tpu.vector_load %arg10[%swap3A_281] {strides = array<i32>} : memref<1024xi32, #tpu.memory_space<vmem>>, vector<16xi32>,
      %swap3A_283 = vector.shape_cast %swap3A_282 : vector<16xi32> to vector<16xi32>
      %swap3A_284 = vector.shape_cast %add3A_274 : vector<16xi32> to vector<16xi32>
      tpu.vector_store %arg10[%swap3A_281], %swap3A_284 {strides = array<i32>} : memref<1024xi32, #tpu.memory_space<vmem>>, vector<16xi32>,
      %broadcast_in_dim3A_285 = vector.shape_cast %add3A_35 : vector<16xi32> to vector<16x1xi32>
      %gather3A_286 = vector.shape_cast %broadcast_in_dim3A_285 : vector<16x1xi32> to vector<16xi32>
      %gather3A_287 = tpu.dynamic_gather %get3A_216[%gather3A_286] in [0] : vector<16xi32>, vector<16xi32> -> vector<16xi32>
      %add3A_288 = arith.addi %add3A_242, %gather3A_287 : vector<16xi32>
      %mul3A_289 = arith.constant 4 : i32
      %mul3A_290 = arith.muli %scan3A_211, %mul3A_289 : i32
      %add3A_291 = arith.constant 3 : i32
      %add3A_292 = arith.addi %mul3A_290, %add3A_291 : i32
      %mul3A_293 = arith.constant 16 : i32
      %mul3A_294 = arith.muli %add3A_292, %mul3A_293 : i32
      %swap3A_295 = arith.index_cast %mul3A_294 : i32 to index
      %swap3A_296 = tpu.vector_load %arg10[%swap3A_295] {strides = array<i32>} : memref<1024xi32, #tpu.memory_space<vmem>>, vector<16xi32>,
      %swap3A_297 = vector.shape_cast %swap3A_296 : vector<16xi32> to vector<16xi32>
      %swap3A_298 = vector.shape_cast %add3A_288 : vector<16xi32> to vector<16xi32>
      tpu.vector_store %arg10[%swap3A_295], %swap3A_298 {strides = array<i32>} : memref<1024xi32, #tpu.memory_space<vmem>>, vector<16xi32>,
      %scan3A_299 = arith.constant 0 : i32
      scf.yield %scan3A_299 : i32
    }
    %scan3A_44 = arith.constant 4 : i32
    %scan3A_45 = arith.constant 0 : i32
    %scan3A_46 = arith.constant 0 : i32
    %scan3A_47 = arith.constant 2 : i32
    %scan3A_48 = arith.addi %scan3A_46, %scan3A_47 : i32
    %scan3A_49 = arith.constant 1 : i32
    %scan3A_50 = scf.for %scan3A_211 = %scan3A_46 to %scan3A_48 step %scan3A_49 iter_args(%scan3A_212 = %scan3A_45) -> (i32)  : i32 {
      %mul3A_213 = arith.constant 128 : i32
      %mul3A_214 = arith.muli %scan3A_211, %mul3A_213 : i32
      %mul3A_215 = arith.constant 128 : i32
      %mul3A_216 = arith.muli %scan3A_211, %mul3A_215 : i32
      %dma_start3A_217 = tpu.memref_slice %arg11[%mul3A_216] : memref<1024xf32, #tpu.memory_space<vmem>> -> memref<128xf32, #tpu.memory_space<vmem>>
      %dma_start3A_218 = tpu.memref_slice %arg10[%mul3A_214] : memref<1024xi32, #tpu.memory_space<vmem>> -> memref<128xi32, #tpu.memory_space<vmem>>
      %dma_start3A_219 = arith.constant 0 : i32
      %dma_start3A_220 = tpu.memref_slice %arg2[%dma_start3A_219] : memref<2097152xf32, #tpu.memory_space<hbm>> -> memref<2097152xf32, #tpu.memory_space<hbm>>
      tpu.enqueue_indirect_dma source(%dma_start3A_220 : memref<2097152xf32, #tpu.memory_space<hbm>>) target(%dma_start3A_217 : memref<128xf32, #tpu.memory_space<vmem>>) offsets(%dma_start3A_218 : memref<128xi32, #tpu.memory_space<vmem>>) semaphore(%arg17 : memref<!tpu.dma_semaphore, #tpu.memory_space<semaphore_mem>>)
      %scan3A_221 = arith.constant 0 : i32
      scf.yield %scan3A_221 : i32
    }
    %scan3A_51 = arith.constant 2 : i32
    %scan3A_52 = arith.constant 0 : i32
    %scan3A_53 = arith.constant 4 : i32
    %scan3A_54 = arith.constant 4 : i32
    %scan3A_55 = arith.addi %scan3A_53, %scan3A_54 : i32
    %scan3A_56 = arith.constant 1 : i32
    %scan3A_57 = scf.for %scan3A_211 = %scan3A_53 to %scan3A_55 step %scan3A_56 iter_args(%scan3A_212 = %scan3A_52) -> (i32)  : i32 {
      %mul3A_213 = arith.constant 16 : i32
      %mul3A_214 = arith.muli %scan3A_211, %mul3A_213 : i32
      %get3A = arith.index_cast %mul3A_214 : i32 to index
      %get3A_215 = tpu.vector_load %arg7[%get3A] {strides = array<i32>} : memref<256xi32, #tpu.memory_space<vmem>>, vector<16xi32>,
      %get3A_216 = vector.shape_cast %get3A_215 : vector<16xi32> to vector<16xi32>
      %jit3A_217 = arith.constant 8 : i32
      %div3A = arith.divsi %scan3A_211, %jit3A_217 : i32
      %sign3A = arith.constant 0 : i32
      %sign3A_218 = arith.cmpi sgt, %scan3A_211, %sign3A : i32
      %sign3A_219 = arith.extui %sign3A_218 : i1 to i32
      %sign3A_220 = arith.constant 0 : i32
      %sign3A_221 = arith.cmpi slt, %scan3A_211, %sign3A_220 : i32
      %sign3A_222 = arith.extui %sign3A_221 : i1 to i32
      %sign3A_223 = arith.subi %sign3A_219, %sign3A_222 : i32
      %sign3A_224 = arith.constant 0 : i32
      %sign3A_225 = arith.cmpi sgt, %jit3A_217, %sign3A_224 : i32
      %sign3A_226 = arith.extui %sign3A_225 : i1 to i32
      %sign3A_227 = arith.constant 0 : i32
      %sign3A_228 = arith.cmpi slt, %jit3A_217, %sign3A_227 : i32
      %sign3A_229 = arith.extui %sign3A_228 : i1 to i32
      %sign3A_230 = arith.subi %sign3A_226, %sign3A_229 : i32
      %ne3A = arith.cmpi ne, %sign3A_223, %sign3A_230 : i32
      %rem3A = arith.remsi %scan3A_211, %jit3A_217 : i32
      %ne3A_231 = arith.constant 0 : i32
      %ne3A_232 = arith.cmpi ne, %rem3A, %ne3A_231 : i32
      %and3A_233 = arith.andi %ne3A, %ne3A_232 : i1
      %sub3A = arith.constant 1 : i32
      %sub3A_234 = arith.subi %div3A, %sub3A : i32
      %select_n3A_235 = arith.select %and3A_233, %sub3A_234, %div3A : i32
      %mul3A_236 = arith.constant 2 : i32
      %mul3A_237 = arith.muli %arg1, %mul3A_236 : i32
      %add3A_238 = arith.addi %mul3A_237, %select_n3A_235 : i32
      %mul3A_239 = arith.constant 65536 : i32
      %mul3A_240 = arith.muli %add3A_238, %mul3A_239 : i32
      %add3A_241 = vector.broadcast %mul3A_240 : i32 to vector<16xi32>
      %add3A_242 = arith.addi %add3A_241, %mul3A_38 : vector<16xi32>
      %broadcast_in_dim3A_243 = vector.shape_cast %add3A_26 : vector<16xi32> to vector<16x1xi32>
      %gather3A_244 = vector.shape_cast %broadcast_in_dim3A_243 : vector<16x1xi32> to vector<16xi32>
      %gather3A_245 = tpu.dynamic_gather %get3A_216[%gather3A_244] in [0] : vector<16xi32>, vector<16xi32> -> vector<16xi32>
      %add3A_246 = arith.addi %add3A_242, %gather3A_245 : vector<16xi32>
      %mul3A_247 = arith.constant 4 : i32
      %mul3A_248 = arith.muli %scan3A_211, %mul3A_247 : i32
      %add3A_249 = arith.constant 0 : i32
      %add3A_250 = arith.addi %mul3A_248, %add3A_249 : i32
      %mul3A_251 = arith.constant 16 : i32
      %mul3A_252 = arith.muli %add3A_250, %mul3A_251 : i32
      %swap3A_253 = arith.index_cast %mul3A_252 : i32 to index
      %swap3A_254 = tpu.vector_load %arg10[%swap3A_253] {strides = array<i32>} : memref<1024xi32, #tpu.memory_space<vmem>>, vector<16xi32>,
      %swap3A_255 = vector.shape_cast %swap3A_254 : vector<16xi32> to vector<16xi32>
      %swap3A_256 = vector.shape_cast %add3A_246 : vector<16xi32> to vector<16xi32>
      tpu.vector_store %arg10[%swap3A_253], %swap3A_256 {strides = array<i32>} : memref<1024xi32, #tpu.memory_space<vmem>>, vector<16xi32>,
      %broadcast_in_dim3A_257 = vector.shape_cast %add3A_29 : vector<16xi32> to vector<16x1xi32>
      %gather3A_258 = vector.shape_cast %broadcast_in_dim3A_257 : vector<16x1xi32> to vector<16xi32>
      %gather3A_259 = tpu.dynamic_gather %get3A_216[%gather3A_258] in [0] : vector<16xi32>, vector<16xi32> -> vector<16xi32>
      %add3A_260 = arith.addi %add3A_242, %gather3A_259 : vector<16xi32>
      %mul3A_261 = arith.constant 4 : i32
      %mul3A_262 = arith.muli %scan3A_211, %mul3A_261 : i32
      %add3A_263 = arith.constant 1 : i32
      %add3A_264 = arith.addi %mul3A_262, %add3A_263 : i32
      %mul3A_265 = arith.constant 16 : i32
      %mul3A_266 = arith.muli %add3A_264, %mul3A_265 : i32
      %swap3A_267 = arith.index_cast %mul3A_266 : i32 to index
      %swap3A_268 = tpu.vector_load %arg10[%swap3A_267] {strides = array<i32>} : memref<1024xi32, #tpu.memory_space<vmem>>, vector<16xi32>,
      %swap3A_269 = vector.shape_cast %swap3A_268 : vector<16xi32> to vector<16xi32>
      %swap3A_270 = vector.shape_cast %add3A_260 : vector<16xi32> to vector<16xi32>
      tpu.vector_store %arg10[%swap3A_267], %swap3A_270 {strides = array<i32>} : memref<1024xi32, #tpu.memory_space<vmem>>, vector<16xi32>,
      %broadcast_in_dim3A_271 = vector.shape_cast %add3A_32 : vector<16xi32> to vector<16x1xi32>
      %gather3A_272 = vector.shape_cast %broadcast_in_dim3A_271 : vector<16x1xi32> to vector<16xi32>
      %gather3A_273 = tpu.dynamic_gather %get3A_216[%gather3A_272] in [0] : vector<16xi32>, vector<16xi32> -> vector<16xi32>
      %add3A_274 = arith.addi %add3A_242, %gather3A_273 : vector<16xi32>
      %mul3A_275 = arith.constant 4 : i32
      %mul3A_276 = arith.muli %scan3A_211, %mul3A_275 : i32
      %add3A_277 = arith.constant 2 : i32
      %add3A_278 = arith.addi %mul3A_276, %add3A_277 : i32
      %mul3A_279 = arith.constant 16 : i32
      %mul3A_280 = arith.muli %add3A_278, %mul3A_279 : i32
      %swap3A_281 = arith.index_cast %mul3A_280 : i32 to index
      %swap3A_282 = tpu.vector_load %arg10[%swap3A_281] {strides = array<i32>} : memref<1024xi32, #tpu.memory_space<vmem>>, vector<16xi32>,
      %swap3A_283 = vector.shape_cast %swap3A_282 : vector<16xi32> to vector<16xi32>
      %swap3A_284 = vector.shape_cast %add3A_274 : vector<16xi32> to vector<16xi32>
      tpu.vector_store %arg10[%swap3A_281], %swap3A_284 {strides = array<i32>} : memref<1024xi32, #tpu.memory_space<vmem>>, vector<16xi32>,
      %broadcast_in_dim3A_285 = vector.shape_cast %add3A_35 : vector<16xi32> to vector<16x1xi32>
      %gather3A_286 = vector.shape_cast %broadcast_in_dim3A_285 : vector<16x1xi32> to vector<16xi32>
      %gather3A_287 = tpu.dynamic_gather %get3A_216[%gather3A_286] in [0] : vector<16xi32>, vector<16xi32> -> vector<16xi32>
      %add3A_288 = arith.addi %add3A_242, %gather3A_287 : vector<16xi32>
      %mul3A_289 = arith.constant 4 : i32
      %mul3A_290 = arith.muli %scan3A_211, %mul3A_289 : i32
      %add3A_291 = arith.constant 3 : i32
      %add3A_292 = arith.addi %mul3A_290, %add3A_291 : i32
      %mul3A_293 = arith.constant 16 : i32
      %mul3A_294 = arith.muli %add3A_292, %mul3A_293 : i32
      %swap3A_295 = arith.index_cast %mul3A_294 : i32 to index
      %swap3A_296 = tpu.vector_load %arg10[%swap3A_295] {strides = array<i32>} : memref<1024xi32, #tpu.memory_space<vmem>>, vector<16xi32>,
      %swap3A_297 = vector.shape_cast %swap3A_296 : vector<16xi32> to vector<16xi32>
      %swap3A_298 = vector.shape_cast %add3A_288 : vector<16xi32> to vector<16xi32>
      tpu.vector_store %arg10[%swap3A_295], %swap3A_298 {strides = array<i32>} : memref<1024xi32, #tpu.memory_space<vmem>>, vector<16xi32>,
      %scan3A_299 = arith.constant 0 : i32
      scf.yield %scan3A_299 : i32
    }
    %scan3A_58 = arith.constant 4 : i32
    %scan3A_59 = arith.constant 0 : i32
    %scan3A_60 = arith.constant 2 : i32
    %scan3A_61 = arith.constant 2 : i32
    %scan3A_62 = arith.addi %scan3A_60, %scan3A_61 : i32
    %scan3A_63 = arith.constant 1 : i32
    %scan3A_64 = scf.for %scan3A_211 = %scan3A_60 to %scan3A_62 step %scan3A_63 iter_args(%scan3A_212 = %scan3A_59) -> (i32)  : i32 {
      %mul3A_213 = arith.constant 128 : i32
      %mul3A_214 = arith.muli %scan3A_211, %mul3A_213 : i32
      %mul3A_215 = arith.constant 128 : i32
      %mul3A_216 = arith.muli %scan3A_211, %mul3A_215 : i32
      %dma_start3A_217 = tpu.memref_slice %arg11[%mul3A_216] : memref<1024xf32, #tpu.memory_space<vmem>> -> memref<128xf32, #tpu.memory_space<vmem>>
      %dma_start3A_218 = tpu.memref_slice %arg10[%mul3A_214] : memref<1024xi32, #tpu.memory_space<vmem>> -> memref<128xi32, #tpu.memory_space<vmem>>
      %dma_start3A_219 = arith.constant 0 : i32
      %dma_start3A_220 = tpu.memref_slice %arg2[%dma_start3A_219] : memref<2097152xf32, #tpu.memory_space<hbm>> -> memref<2097152xf32, #tpu.memory_space<hbm>>
      tpu.enqueue_indirect_dma source(%dma_start3A_220 : memref<2097152xf32, #tpu.memory_space<hbm>>) target(%dma_start3A_217 : memref<128xf32, #tpu.memory_space<vmem>>) offsets(%dma_start3A_218 : memref<128xi32, #tpu.memory_space<vmem>>) semaphore(%arg18 : memref<!tpu.dma_semaphore, #tpu.memory_space<semaphore_mem>>)
      %scan3A_221 = arith.constant 0 : i32
      scf.yield %scan3A_221 : i32
    }
    %scan3A_65 = arith.constant 2 : i32
    %scan3A_66 = arith.constant 0 : i32
    %scan3A_67 = arith.constant 8 : i32
    %scan3A_68 = arith.constant 4 : i32
    %scan3A_69 = arith.addi %scan3A_67, %scan3A_68 : i32
    %scan3A_70 = arith.constant 1 : i32
    %scan3A_71 = scf.for %scan3A_211 = %scan3A_67 to %scan3A_69 step %scan3A_70 iter_args(%scan3A_212 = %scan3A_66) -> (i32)  : i32 {
      %mul3A_213 = arith.constant 16 : i32
      %mul3A_214 = arith.muli %scan3A_211, %mul3A_213 : i32
      %get3A = arith.index_cast %mul3A_214 : i32 to index
      %get3A_215 = tpu.vector_load %arg7[%get3A] {strides = array<i32>} : memref<256xi32, #tpu.memory_space<vmem>>, vector<16xi32>,
      %get3A_216 = vector.shape_cast %get3A_215 : vector<16xi32> to vector<16xi32>
      %jit3A_217 = arith.constant 8 : i32
      %div3A = arith.divsi %scan3A_211, %jit3A_217 : i32
      %sign3A = arith.constant 0 : i32
      %sign3A_218 = arith.cmpi sgt, %scan3A_211, %sign3A : i32
      %sign3A_219 = arith.extui %sign3A_218 : i1 to i32
      %sign3A_220 = arith.constant 0 : i32
      %sign3A_221 = arith.cmpi slt, %scan3A_211, %sign3A_220 : i32
      %sign3A_222 = arith.extui %sign3A_221 : i1 to i32
      %sign3A_223 = arith.subi %sign3A_219, %sign3A_222 : i32
      %sign3A_224 = arith.constant 0 : i32
      %sign3A_225 = arith.cmpi sgt, %jit3A_217, %sign3A_224 : i32
      %sign3A_226 = arith.extui %sign3A_225 : i1 to i32
      %sign3A_227 = arith.constant 0 : i32
      %sign3A_228 = arith.cmpi slt, %jit3A_217, %sign3A_227 : i32
      %sign3A_229 = arith.extui %sign3A_228 : i1 to i32
      %sign3A_230 = arith.subi %sign3A_226, %sign3A_229 : i32
      %ne3A = arith.cmpi ne, %sign3A_223, %sign3A_230 : i32
      %rem3A = arith.remsi %scan3A_211, %jit3A_217 : i32
      %ne3A_231 = arith.constant 0 : i32
      %ne3A_232 = arith.cmpi ne, %rem3A, %ne3A_231 : i32
      %and3A_233 = arith.andi %ne3A, %ne3A_232 : i1
      %sub3A = arith.constant 1 : i32
      %sub3A_234 = arith.subi %div3A, %sub3A : i32
      %select_n3A_235 = arith.select %and3A_233, %sub3A_234, %div3A : i32
      %mul3A_236 = arith.constant 2 : i32
      %mul3A_237 = arith.muli %arg1, %mul3A_236 : i32
      %add3A_238 = arith.addi %mul3A_237, %select_n3A_235 : i32
      %mul3A_239 = arith.constant 65536 : i32
      %mul3A_240 = arith.muli %add3A_238, %mul3A_239 : i32
      %add3A_241 = vector.broadcast %mul3A_240 : i32 to vector<16xi32>
      %add3A_242 = arith.addi %add3A_241, %mul3A_38 : vector<16xi32>
      %broadcast_in_dim3A_243 = vector.shape_cast %add3A_26 : vector<16xi32> to vector<16x1xi32>
      %gather3A_244 = vector.shape_cast %broadcast_in_dim3A_243 : vector<16x1xi32> to vector<16xi32>
      %gather3A_245 = tpu.dynamic_gather %get3A_216[%gather3A_244] in [0] : vector<16xi32>, vector<16xi32> -> vector<16xi32>
      %add3A_246 = arith.addi %add3A_242, %gather3A_245 : vector<16xi32>
      %mul3A_247 = arith.constant 4 : i32
      %mul3A_248 = arith.muli %scan3A_211, %mul3A_247 : i32
      %add3A_249 = arith.constant 0 : i32
      %add3A_250 = arith.addi %mul3A_248, %add3A_249 : i32
      %mul3A_251 = arith.constant 16 : i32
      %mul3A_252 = arith.muli %add3A_250, %mul3A_251 : i32
      %swap3A_253 = arith.index_cast %mul3A_252 : i32 to index
      %swap3A_254 = tpu.vector_load %arg10[%swap3A_253] {strides = array<i32>} : memref<1024xi32, #tpu.memory_space<vmem>>, vector<16xi32>,
      %swap3A_255 = vector.shape_cast %swap3A_254 : vector<16xi32> to vector<16xi32>
      %swap3A_256 = vector.shape_cast %add3A_246 : vector<16xi32> to vector<16xi32>
      tpu.vector_store %arg10[%swap3A_253], %swap3A_256 {strides = array<i32>} : memref<1024xi32, #tpu.memory_space<vmem>>, vector<16xi32>,
      %broadcast_in_dim3A_257 = vector.shape_cast %add3A_29 : vector<16xi32> to vector<16x1xi32>
      %gather3A_258 = vector.shape_cast %broadcast_in_dim3A_257 : vector<16x1xi32> to vector<16xi32>
      %gather3A_259 = tpu.dynamic_gather %get3A_216[%gather3A_258] in [0] : vector<16xi32>, vector<16xi32> -> vector<16xi32>
      %add3A_260 = arith.addi %add3A_242, %gather3A_259 : vector<16xi32>
      %mul3A_261 = arith.constant 4 : i32
      %mul3A_262 = arith.muli %scan3A_211, %mul3A_261 : i32
      %add3A_263 = arith.constant 1 : i32
      %add3A_264 = arith.addi %mul3A_262, %add3A_263 : i32
      %mul3A_265 = arith.constant 16 : i32
      %mul3A_266 = arith.muli %add3A_264, %mul3A_265 : i32
      %swap3A_267 = arith.index_cast %mul3A_266 : i32 to index
      %swap3A_268 = tpu.vector_load %arg10[%swap3A_267] {strides = array<i32>} : memref<1024xi32, #tpu.memory_space<vmem>>, vector<16xi32>,
      %swap3A_269 = vector.shape_cast %swap3A_268 : vector<16xi32> to vector<16xi32>
      %swap3A_270 = vector.shape_cast %add3A_260 : vector<16xi32> to vector<16xi32>
      tpu.vector_store %arg10[%swap3A_267], %swap3A_270 {strides = array<i32>} : memref<1024xi32, #tpu.memory_space<vmem>>, vector<16xi32>,
      %broadcast_in_dim3A_271 = vector.shape_cast %add3A_32 : vector<16xi32> to vector<16x1xi32>
      %gather3A_272 = vector.shape_cast %broadcast_in_dim3A_271 : vector<16x1xi32> to vector<16xi32>
      %gather3A_273 = tpu.dynamic_gather %get3A_216[%gather3A_272] in [0] : vector<16xi32>, vector<16xi32> -> vector<16xi32>
      %add3A_274 = arith.addi %add3A_242, %gather3A_273 : vector<16xi32>
      %mul3A_275 = arith.constant 4 : i32
      %mul3A_276 = arith.muli %scan3A_211, %mul3A_275 : i32
      %add3A_277 = arith.constant 2 : i32
      %add3A_278 = arith.addi %mul3A_276, %add3A_277 : i32
      %mul3A_279 = arith.constant 16 : i32
      %mul3A_280 = arith.muli %add3A_278, %mul3A_279 : i32
      %swap3A_281 = arith.index_cast %mul3A_280 : i32 to index
      %swap3A_282 = tpu.vector_load %arg10[%swap3A_281] {strides = array<i32>} : memref<1024xi32, #tpu.memory_space<vmem>>, vector<16xi32>,
      %swap3A_283 = vector.shape_cast %swap3A_282 : vector<16xi32> to vector<16xi32>
      %swap3A_284 = vector.shape_cast %add3A_274 : vector<16xi32> to vector<16xi32>
      tpu.vector_store %arg10[%swap3A_281], %swap3A_284 {strides = array<i32>} : memref<1024xi32, #tpu.memory_space<vmem>>, vector<16xi32>,
      %broadcast_in_dim3A_285 = vector.shape_cast %add3A_35 : vector<16xi32> to vector<16x1xi32>
      %gather3A_286 = vector.shape_cast %broadcast_in_dim3A_285 : vector<16x1xi32> to vector<16xi32>
      %gather3A_287 = tpu.dynamic_gather %get3A_216[%gather3A_286] in [0] : vector<16xi32>, vector<16xi32> -> vector<16xi32>
      %add3A_288 = arith.addi %add3A_242, %gather3A_287 : vector<16xi32>
      %mul3A_289 = arith.constant 4 : i32
      %mul3A_290 = arith.muli %scan3A_211, %mul3A_289 : i32
      %add3A_291 = arith.constant 3 : i32
      %add3A_292 = arith.addi %mul3A_290, %add3A_291 : i32
      %mul3A_293 = arith.constant 16 : i32
      %mul3A_294 = arith.muli %add3A_292, %mul3A_293 : i32
      %swap3A_295 = arith.index_cast %mul3A_294 : i32 to index
      %swap3A_296 = tpu.vector_load %arg10[%swap3A_295] {strides = array<i32>} : memref<1024xi32, #tpu.memory_space<vmem>>, vector<16xi32>,
      %swap3A_297 = vector.shape_cast %swap3A_296 : vector<16xi32> to vector<16xi32>
      %swap3A_298 = vector.shape_cast %add3A_288 : vector<16xi32> to vector<16xi32>
      tpu.vector_store %arg10[%swap3A_295], %swap3A_298 {strides = array<i32>} : memref<1024xi32, #tpu.memory_space<vmem>>, vector<16xi32>,
      %scan3A_299 = arith.constant 0 : i32
      scf.yield %scan3A_299 : i32
    }
    %scan3A_72 = arith.constant 4 : i32
    %scan3A_73 = arith.constant 0 : i32
    %scan3A_74 = arith.constant 4 : i32
    %scan3A_75 = arith.constant 2 : i32
    %scan3A_76 = arith.addi %scan3A_74, %scan3A_75 : i32
    %scan3A_77 = arith.constant 1 : i32
    %scan3A_78 = scf.for %scan3A_211 = %scan3A_74 to %scan3A_76 step %scan3A_77 iter_args(%scan3A_212 = %scan3A_73) -> (i32)  : i32 {
      %mul3A_213 = arith.constant 128 : i32
      %mul3A_214 = arith.muli %scan3A_211, %mul3A_213 : i32
      %mul3A_215 = arith.constant 128 : i32
      %mul3A_216 = arith.muli %scan3A_211, %mul3A_215 : i32
      %dma_start3A_217 = tpu.memref_slice %arg11[%mul3A_216] : memref<1024xf32, #tpu.memory_space<vmem>> -> memref<128xf32, #tpu.memory_space<vmem>>
      %dma_start3A_218 = tpu.memref_slice %arg10[%mul3A_214] : memref<1024xi32, #tpu.memory_space<vmem>> -> memref<128xi32, #tpu.memory_space<vmem>>
      %dma_start3A_219 = arith.constant 0 : i32
      %dma_start3A_220 = tpu.memref_slice %arg2[%dma_start3A_219] : memref<2097152xf32, #tpu.memory_space<hbm>> -> memref<2097152xf32, #tpu.memory_space<hbm>>
      tpu.enqueue_indirect_dma source(%dma_start3A_220 : memref<2097152xf32, #tpu.memory_space<hbm>>) target(%dma_start3A_217 : memref<128xf32, #tpu.memory_space<vmem>>) offsets(%dma_start3A_218 : memref<128xi32, #tpu.memory_space<vmem>>) semaphore(%arg19 : memref<!tpu.dma_semaphore, #tpu.memory_space<semaphore_mem>>)
      %scan3A_221 = arith.constant 0 : i32
      scf.yield %scan3A_221 : i32
    }
    %scan3A_79 = arith.constant 2 : i32
    %scan3A_80 = arith.constant 0 : i32
    %scan3A_81 = arith.constant 12 : i32
    %scan3A_82 = arith.constant 4 : i32
    %scan3A_83 = arith.addi %scan3A_81, %scan3A_82 : i32
    %scan3A_84 = arith.constant 1 : i32
    %scan3A_85 = scf.for %scan3A_211 = %scan3A_81 to %scan3A_83 step %scan3A_84 iter_args(%scan3A_212 = %scan3A_80) -> (i32)  : i32 {
      %mul3A_213 = arith.constant 16 : i32
      %mul3A_214 = arith.muli %scan3A_211, %mul3A_213 : i32
      %get3A = arith.index_cast %mul3A_214 : i32 to index
      %get3A_215 = tpu.vector_load %arg7[%get3A] {strides = array<i32>} : memref<256xi32, #tpu.memory_space<vmem>>, vector<16xi32>,
      %get3A_216 = vector.shape_cast %get3A_215 : vector<16xi32> to vector<16xi32>
      %jit3A_217 = arith.constant 8 : i32
      %div3A = arith.divsi %scan3A_211, %jit3A_217 : i32
      %sign3A = arith.constant 0 : i32
      %sign3A_218 = arith.cmpi sgt, %scan3A_211, %sign3A : i32
      %sign3A_219 = arith.extui %sign3A_218 : i1 to i32
      %sign3A_220 = arith.constant 0 : i32
      %sign3A_221 = arith.cmpi slt, %scan3A_211, %sign3A_220 : i32
      %sign3A_222 = arith.extui %sign3A_221 : i1 to i32
      %sign3A_223 = arith.subi %sign3A_219, %sign3A_222 : i32
      %sign3A_224 = arith.constant 0 : i32
      %sign3A_225 = arith.cmpi sgt, %jit3A_217, %sign3A_224 : i32
      %sign3A_226 = arith.extui %sign3A_225 : i1 to i32
      %sign3A_227 = arith.constant 0 : i32
      %sign3A_228 = arith.cmpi slt, %jit3A_217, %sign3A_227 : i32
      %sign3A_229 = arith.extui %sign3A_228 : i1 to i32
      %sign3A_230 = arith.subi %sign3A_226, %sign3A_229 : i32
      %ne3A = arith.cmpi ne, %sign3A_223, %sign3A_230 : i32
      %rem3A = arith.remsi %scan3A_211, %jit3A_217 : i32
      %ne3A_231 = arith.constant 0 : i32
      %ne3A_232 = arith.cmpi ne, %rem3A, %ne3A_231 : i32
      %and3A_233 = arith.andi %ne3A, %ne3A_232 : i1
      %sub3A = arith.constant 1 : i32
      %sub3A_234 = arith.subi %div3A, %sub3A : i32
      %select_n3A_235 = arith.select %and3A_233, %sub3A_234, %div3A : i32
      %mul3A_236 = arith.constant 2 : i32
      %mul3A_237 = arith.muli %arg1, %mul3A_236 : i32
      %add3A_238 = arith.addi %mul3A_237, %select_n3A_235 : i32
      %mul3A_239 = arith.constant 65536 : i32
      %mul3A_240 = arith.muli %add3A_238, %mul3A_239 : i32
      %add3A_241 = vector.broadcast %mul3A_240 : i32 to vector<16xi32>
      %add3A_242 = arith.addi %add3A_241, %mul3A_38 : vector<16xi32>
      %broadcast_in_dim3A_243 = vector.shape_cast %add3A_26 : vector<16xi32> to vector<16x1xi32>
      %gather3A_244 = vector.shape_cast %broadcast_in_dim3A_243 : vector<16x1xi32> to vector<16xi32>
      %gather3A_245 = tpu.dynamic_gather %get3A_216[%gather3A_244] in [0] : vector<16xi32>, vector<16xi32> -> vector<16xi32>
      %add3A_246 = arith.addi %add3A_242, %gather3A_245 : vector<16xi32>
      %mul3A_247 = arith.constant 4 : i32
      %mul3A_248 = arith.muli %scan3A_211, %mul3A_247 : i32
      %add3A_249 = arith.constant 0 : i32
      %add3A_250 = arith.addi %mul3A_248, %add3A_249 : i32
      %mul3A_251 = arith.constant 16 : i32
      %mul3A_252 = arith.muli %add3A_250, %mul3A_251 : i32
      %swap3A_253 = arith.index_cast %mul3A_252 : i32 to index
      %swap3A_254 = tpu.vector_load %arg10[%swap3A_253] {strides = array<i32>} : memref<1024xi32, #tpu.memory_space<vmem>>, vector<16xi32>,
      %swap3A_255 = vector.shape_cast %swap3A_254 : vector<16xi32> to vector<16xi32>
      %swap3A_256 = vector.shape_cast %add3A_246 : vector<16xi32> to vector<16xi32>
      tpu.vector_store %arg10[%swap3A_253], %swap3A_256 {strides = array<i32>} : memref<1024xi32, #tpu.memory_space<vmem>>, vector<16xi32>,
      %broadcast_in_dim3A_257 = vector.shape_cast %add3A_29 : vector<16xi32> to vector<16x1xi32>
      %gather3A_258 = vector.shape_cast %broadcast_in_dim3A_257 : vector<16x1xi32> to vector<16xi32>
      %gather3A_259 = tpu.dynamic_gather %get3A_216[%gather3A_258] in [0] : vector<16xi32>, vector<16xi32> -> vector<16xi32>
      %add3A_260 = arith.addi %add3A_242, %gather3A_259 : vector<16xi32>
      %mul3A_261 = arith.constant 4 : i32
      %mul3A_262 = arith.muli %scan3A_211, %mul3A_261 : i32
      %add3A_263 = arith.constant 1 : i32
      %add3A_264 = arith.addi %mul3A_262, %add3A_263 : i32
      %mul3A_265 = arith.constant 16 : i32
      %mul3A_266 = arith.muli %add3A_264, %mul3A_265 : i32
      %swap3A_267 = arith.index_cast %mul3A_266 : i32 to index
      %swap3A_268 = tpu.vector_load %arg10[%swap3A_267] {strides = array<i32>} : memref<1024xi32, #tpu.memory_space<vmem>>, vector<16xi32>,
      %swap3A_269 = vector.shape_cast %swap3A_268 : vector<16xi32> to vector<16xi32>
      %swap3A_270 = vector.shape_cast %add3A_260 : vector<16xi32> to vector<16xi32>
      tpu.vector_store %arg10[%swap3A_267], %swap3A_270 {strides = array<i32>} : memref<1024xi32, #tpu.memory_space<vmem>>, vector<16xi32>,
      %broadcast_in_dim3A_271 = vector.shape_cast %add3A_32 : vector<16xi32> to vector<16x1xi32>
      %gather3A_272 = vector.shape_cast %broadcast_in_dim3A_271 : vector<16x1xi32> to vector<16xi32>
      %gather3A_273 = tpu.dynamic_gather %get3A_216[%gather3A_272] in [0] : vector<16xi32>, vector<16xi32> -> vector<16xi32>
      %add3A_274 = arith.addi %add3A_242, %gather3A_273 : vector<16xi32>
      %mul3A_275 = arith.constant 4 : i32
      %mul3A_276 = arith.muli %scan3A_211, %mul3A_275 : i32
      %add3A_277 = arith.constant 2 : i32
      %add3A_278 = arith.addi %mul3A_276, %add3A_277 : i32
      %mul3A_279 = arith.constant 16 : i32
      %mul3A_280 = arith.muli %add3A_278, %mul3A_279 : i32
      %swap3A_281 = arith.index_cast %mul3A_280 : i32 to index
      %swap3A_282 = tpu.vector_load %arg10[%swap3A_281] {strides = array<i32>} : memref<1024xi32, #tpu.memory_space<vmem>>, vector<16xi32>,
      %swap3A_283 = vector.shape_cast %swap3A_282 : vector<16xi32> to vector<16xi32>
      %swap3A_284 = vector.shape_cast %add3A_274 : vector<16xi32> to vector<16xi32>
      tpu.vector_store %arg10[%swap3A_281], %swap3A_284 {strides = array<i32>} : memref<1024xi32, #tpu.memory_space<vmem>>, vector<16xi32>,
      %broadcast_in_dim3A_285 = vector.shape_cast %add3A_35 : vector<16xi32> to vector<16x1xi32>
      %gather3A_286 = vector.shape_cast %broadcast_in_dim3A_285 : vector<16x1xi32> to vector<16xi32>
      %gather3A_287 = tpu.dynamic_gather %get3A_216[%gather3A_286] in [0] : vector<16xi32>, vector<16xi32> -> vector<16xi32>
      %add3A_288 = arith.addi %add3A_242, %gather3A_287 : vector<16xi32>
      %mul3A_289 = arith.constant 4 : i32
      %mul3A_290 = arith.muli %scan3A_211, %mul3A_289 : i32
      %add3A_291 = arith.constant 3 : i32
      %add3A_292 = arith.addi %mul3A_290, %add3A_291 : i32
      %mul3A_293 = arith.constant 16 : i32
      %mul3A_294 = arith.muli %add3A_292, %mul3A_293 : i32
      %swap3A_295 = arith.index_cast %mul3A_294 : i32 to index
      %swap3A_296 = tpu.vector_load %arg10[%swap3A_295] {strides = array<i32>} : memref<1024xi32, #tpu.memory_space<vmem>>, vector<16xi32>,
      %swap3A_297 = vector.shape_cast %swap3A_296 : vector<16xi32> to vector<16xi32>
      %swap3A_298 = vector.shape_cast %add3A_288 : vector<16xi32> to vector<16xi32>
      tpu.vector_store %arg10[%swap3A_295], %swap3A_298 {strides = array<i32>} : memref<1024xi32, #tpu.memory_space<vmem>>, vector<16xi32>,
      %scan3A_299 = arith.constant 0 : i32
      scf.yield %scan3A_299 : i32
    }
    %scan3A_86 = arith.constant 4 : i32
    %scan3A_87 = arith.constant 0 : i32
    %scan3A_88 = arith.constant 6 : i32
    %scan3A_89 = arith.constant 2 : i32
    %scan3A_90 = arith.addi %scan3A_88, %scan3A_89 : i32
    %scan3A_91 = arith.constant 1 : i32
    %scan3A_92 = scf.for %scan3A_211 = %scan3A_88 to %scan3A_90 step %scan3A_91 iter_args(%scan3A_212 = %scan3A_87) -> (i32)  : i32 {
      %mul3A_213 = arith.constant 128 : i32
      %mul3A_214 = arith.muli %scan3A_211, %mul3A_213 : i32
      %mul3A_215 = arith.constant 128 : i32
      %mul3A_216 = arith.muli %scan3A_211, %mul3A_215 : i32
      %dma_start3A_217 = tpu.memref_slice %arg11[%mul3A_216] : memref<1024xf32, #tpu.memory_space<vmem>> -> memref<128xf32, #tpu.memory_space<vmem>>
      %dma_start3A_218 = tpu.memref_slice %arg10[%mul3A_214] : memref<1024xi32, #tpu.memory_space<vmem>> -> memref<128xi32, #tpu.memory_space<vmem>>
      %dma_start3A_219 = arith.constant 0 : i32
      %dma_start3A_220 = tpu.memref_slice %arg2[%dma_start3A_219] : memref<2097152xf32, #tpu.memory_space<hbm>> -> memref<2097152xf32, #tpu.memory_space<hbm>>
      tpu.enqueue_indirect_dma source(%dma_start3A_220 : memref<2097152xf32, #tpu.memory_space<hbm>>) target(%dma_start3A_217 : memref<128xf32, #tpu.memory_space<vmem>>) offsets(%dma_start3A_218 : memref<128xi32, #tpu.memory_space<vmem>>) semaphore(%arg20 : memref<!tpu.dma_semaphore, #tpu.memory_space<semaphore_mem>>)
      %scan3A_221 = arith.constant 0 : i32
      scf.yield %scan3A_221 : i32
    }
    %scan3A_93 = arith.constant 2 : i32
    %dma_wait3A_94 = tpu.memref_slice %arg3[%mul3A_7] : memref<4096xi32, #tpu.memory_space<hbm>> -> memref<256xi32, #tpu.memory_space<hbm>>
    %dma_wait3A_95 = tpu.memref_slice %arg3[%mul3A_7] : memref<4096xi32, #tpu.memory_space<hbm>> -> memref<256xi32, #tpu.memory_space<hbm>>
    tpu.wait_dma2 semaphore(%arg16 : memref<!tpu.dma_semaphore, #tpu.memory_space<semaphore_mem>>) src(%dma_wait3A_95 : memref<256xi32, #tpu.memory_space<hbm>>) dst(%arg8 : memref<256xi32, #tpu.memory_space<vmem>>)
    %dma_wait3A_96 = tpu.memref_slice %arg5[%mul3A_15] : memref<16384xf32, #tpu.memory_space<hbm>> -> memref<1024xf32, #tpu.memory_space<hbm>>
    %dma_wait3A_97 = tpu.memref_slice %arg5[%mul3A_15] : memref<16384xf32, #tpu.memory_space<hbm>> -> memref<1024xf32, #tpu.memory_space<hbm>>
    tpu.wait_dma2 semaphore(%arg16 : memref<!tpu.dma_semaphore, #tpu.memory_space<semaphore_mem>>) src(%dma_wait3A_97 : memref<1024xf32, #tpu.memory_space<hbm>>) dst(%arg9 : memref<1024xf32, #tpu.memory_space<vmem>>)
    %broadcast_in_dim3A = arith.constant 0.000000e+00 : f32
    %broadcast_in_dim3A_98 = vector.broadcast %broadcast_in_dim3A : f32 to vector<16xf32>
    %dma_wait3A_99 = arith.constant 0 : i32
    %dma_wait3A_100 = tpu.memref_slice %arg11[%dma_wait3A_99] : memref<1024xf32, #tpu.memory_space<vmem>> -> memref<256xf32, #tpu.memory_space<vmem>>
    %dma_wait3A_101 = arith.constant 0 : i32
    %dma_wait3A_102 = tpu.memref_slice %arg2[%dma_wait3A_101] : memref<2097152xf32, #tpu.memory_space<hbm>> -> memref<256xf32, #tpu.memory_space<hbm>>
    %dma_wait3A_103 = arith.constant 0 : i32
    %dma_wait3A_104 = tpu.memref_slice %arg11[%dma_wait3A_103] : memref<1024xf32, #tpu.memory_space<vmem>> -> memref<256xf32, #tpu.memory_space<vmem>>
    %dma_wait3A_105 = arith.constant 0 : i32
    %dma_wait3A_106 = tpu.memref_slice %arg2[%dma_wait3A_105] : memref<2097152xf32, #tpu.memory_space<hbm>> -> memref<256xf32, #tpu.memory_space<hbm>>
    tpu.wait_dma2 semaphore(%arg17 : memref<!tpu.dma_semaphore, #tpu.memory_space<semaphore_mem>>) src(%dma_wait3A_106 : memref<256xf32, #tpu.memory_space<hbm>>) dst(%dma_wait3A_104 : memref<256xf32, #tpu.memory_space<vmem>>)
    %scan3A_107 = arith.constant 0 : i32
    %scan3A_108 = arith.constant 4 : i32
    %scan3A_109 = arith.addi %scan3A_107, %scan3A_108 : i32
    %scan3A_110 = arith.constant 1 : i32
    %scan3A_111:2 = scf.for %scan3A_211 = %scan3A_107 to %scan3A_109 step %scan3A_110 iter_args(%scan3A_212 = %broadcast_in_dim3A_98, %scan3A_213 = %broadcast_in_dim3A_98) -> (vector<16xf32>, vector<16xf32>)  : i32 {
      %mul3A_214 = arith.constant 16 : i32
      %mul3A_215 = arith.muli %scan3A_211, %mul3A_214 : i32
      %get3A = arith.index_cast %mul3A_215 : i32 to index
      %get3A_216 = tpu.vector_load %arg8[%get3A] {strides = array<i32>} : memref<256xi32, #tpu.memory_space<vmem>>, vector<16xi32>,
      %get3A_217 = vector.shape_cast %get3A_216 : vector<16xi32> to vector<16xi32>
      %convert_element_type3A_218 = arith.sitofp %get3A_217 : vector<16xi32> to vector<16xf32>
      %add3A_219 = arith.addf %scan3A_213, %convert_element_type3A_218 : vector<16xf32>
      %broadcast_in_dim3A_220 = vector.shape_cast %add3A_26 : vector<16xi32> to vector<16x1xi32>
      %gather3A_221 = vector.shape_cast %broadcast_in_dim3A_220 : vector<16x1xi32> to vector<16xi32>
      %gather3A_222 = tpu.dynamic_gather %convert_element_type3A_218[%gather3A_221] in [0] : vector<16xf32>, vector<16xi32> -> vector<16xf32>
      %mul3A_223 = arith.constant 4 : i32
      %mul3A_224 = arith.muli %scan3A_211, %mul3A_223 : i32
      %add3A_225 = arith.constant 0 : i32
      %add3A_226 = arith.addi %mul3A_224, %add3A_225 : i32
      %mul3A_227 = arith.constant 16 : i32
      %mul3A_228 = arith.muli %add3A_226, %mul3A_227 : i32
      %get3A_229 = arith.index_cast %mul3A_228 : i32 to index
      %get3A_230 = tpu.vector_load %arg11[%get3A_229] {strides = array<i32>} : memref<1024xf32, #tpu.memory_space<vmem>>, vector<16xf32>,
      %get3A_231 = vector.shape_cast %get3A_230 : vector<16xf32> to vector<16xf32>
      %mul3A_232 = arith.constant 4 : i32
      %mul3A_233 = arith.muli %scan3A_211, %mul3A_232 : i32
      %add3A_234 = arith.constant 0 : i32
      %add3A_235 = arith.addi %mul3A_233, %add3A_234 : i32
      %mul3A_236 = arith.constant 16 : i32
      %mul3A_237 = arith.muli %add3A_235, %mul3A_236 : i32
      %get3A_238 = arith.index_cast %mul3A_237 : i32 to index
      %get3A_239 = tpu.vector_load %arg9[%get3A_238] {strides = array<i32>} : memref<1024xf32, #tpu.memory_space<vmem>>, vector<16xf32>,
      %get3A_240 = vector.shape_cast %get3A_239 : vector<16xf32> to vector<16xf32>
      %sub3A = arith.subf %get3A_231, %get3A_240 : vector<16xf32>
      %abs3A = math.absf %sub3A : vector<16xf32>
      %mul3A_241 = arith.mulf %gather3A_222, %abs3A : vector<16xf32>
      %add3A_242 = arith.addf %scan3A_212, %mul3A_241 : vector<16xf32>
      %broadcast_in_dim3A_243 = vector.shape_cast %add3A_29 : vector<16xi32> to vector<16x1xi32>
      %gather3A_244 = vector.shape_cast %broadcast_in_dim3A_243 : vector<16x1xi32> to vector<16xi32>
      %gather3A_245 = tpu.dynamic_gather %convert_element_type3A_218[%gather3A_244] in [0] : vector<16xf32>, vector<16xi32> -> vector<16xf32>
      %mul3A_246 = arith.constant 4 : i32
      %mul3A_247 = arith.muli %scan3A_211, %mul3A_246 : i32
      %add3A_248 = arith.constant 1 : i32
      %add3A_249 = arith.addi %mul3A_247, %add3A_248 : i32
      %mul3A_250 = arith.constant 16 : i32
      %mul3A_251 = arith.muli %add3A_249, %mul3A_250 : i32
      %get3A_252 = arith.index_cast %mul3A_251 : i32 to index
      %get3A_253 = tpu.vector_load %arg11[%get3A_252] {strides = array<i32>} : memref<1024xf32, #tpu.memory_space<vmem>>, vector<16xf32>,
      %get3A_254 = vector.shape_cast %get3A_253 : vector<16xf32> to vector<16xf32>
      %mul3A_255 = arith.constant 4 : i32
      %mul3A_256 = arith.muli %scan3A_211, %mul3A_255 : i32
      %add3A_257 = arith.constant 1 : i32
      %add3A_258 = arith.addi %mul3A_256, %add3A_257 : i32
      %mul3A_259 = arith.constant 16 : i32
      %mul3A_260 = arith.muli %add3A_258, %mul3A_259 : i32
      %get3A_261 = arith.index_cast %mul3A_260 : i32 to index
      %get3A_262 = tpu.vector_load %arg9[%get3A_261] {strides = array<i32>} : memref<1024xf32, #tpu.memory_space<vmem>>, vector<16xf32>,
      %get3A_263 = vector.shape_cast %get3A_262 : vector<16xf32> to vector<16xf32>
      %sub3A_264 = arith.subf %get3A_254, %get3A_263 : vector<16xf32>
      %abs3A_265 = math.absf %sub3A_264 : vector<16xf32>
      %mul3A_266 = arith.mulf %gather3A_245, %abs3A_265 : vector<16xf32>
      %add3A_267 = arith.addf %add3A_242, %mul3A_266 : vector<16xf32>
      %broadcast_in_dim3A_268 = vector.shape_cast %add3A_32 : vector<16xi32> to vector<16x1xi32>
      %gather3A_269 = vector.shape_cast %broadcast_in_dim3A_268 : vector<16x1xi32> to vector<16xi32>
      %gather3A_270 = tpu.dynamic_gather %convert_element_type3A_218[%gather3A_269] in [0] : vector<16xf32>, vector<16xi32> -> vector<16xf32>
      %mul3A_271 = arith.constant 4 : i32
      %mul3A_272 = arith.muli %scan3A_211, %mul3A_271 : i32
      %add3A_273 = arith.constant 2 : i32
      %add3A_274 = arith.addi %mul3A_272, %add3A_273 : i32
      %mul3A_275 = arith.constant 16 : i32
      %mul3A_276 = arith.muli %add3A_274, %mul3A_275 : i32
      %get3A_277 = arith.index_cast %mul3A_276 : i32 to index
      %get3A_278 = tpu.vector_load %arg11[%get3A_277] {strides = array<i32>} : memref<1024xf32, #tpu.memory_space<vmem>>, vector<16xf32>,
      %get3A_279 = vector.shape_cast %get3A_278 : vector<16xf32> to vector<16xf32>
      %mul3A_280 = arith.constant 4 : i32
      %mul3A_281 = arith.muli %scan3A_211, %mul3A_280 : i32
      %add3A_282 = arith.constant 2 : i32
      %add3A_283 = arith.addi %mul3A_281, %add3A_282 : i32
      %mul3A_284 = arith.constant 16 : i32
      %mul3A_285 = arith.muli %add3A_283, %mul3A_284 : i32
      %get3A_286 = arith.index_cast %mul3A_285 : i32 to index
      %get3A_287 = tpu.vector_load %arg9[%get3A_286] {strides = array<i32>} : memref<1024xf32, #tpu.memory_space<vmem>>, vector<16xf32>,
      %get3A_288 = vector.shape_cast %get3A_287 : vector<16xf32> to vector<16xf32>
      %sub3A_289 = arith.subf %get3A_279, %get3A_288 : vector<16xf32>
      %abs3A_290 = math.absf %sub3A_289 : vector<16xf32>
      %mul3A_291 = arith.mulf %gather3A_270, %abs3A_290 : vector<16xf32>
      %add3A_292 = arith.addf %add3A_267, %mul3A_291 : vector<16xf32>
      %broadcast_in_dim3A_293 = vector.shape_cast %add3A_35 : vector<16xi32> to vector<16x1xi32>
      %gather3A_294 = vector.shape_cast %broadcast_in_dim3A_293 : vector<16x1xi32> to vector<16xi32>
      %gather3A_295 = tpu.dynamic_gather %convert_element_type3A_218[%gather3A_294] in [0] : vector<16xf32>, vector<16xi32> -> vector<16xf32>
      %mul3A_296 = arith.constant 4 : i32
      %mul3A_297 = arith.muli %scan3A_211, %mul3A_296 : i32
      %add3A_298 = arith.constant 3 : i32
      %add3A_299 = arith.addi %mul3A_297, %add3A_298 : i32
      %mul3A_300 = arith.constant 16 : i32
      %mul3A_301 = arith.muli %add3A_299, %mul3A_300 : i32
      %get3A_302 = arith.index_cast %mul3A_301 : i32 to index
      %get3A_303 = tpu.vector_load %arg11[%get3A_302] {strides = array<i32>} : memref<1024xf32, #tpu.memory_space<vmem>>, vector<16xf32>,
      %get3A_304 = vector.shape_cast %get3A_303 : vector<16xf32> to vector<16xf32>
      %mul3A_305 = arith.constant 4 : i32
      %mul3A_306 = arith.muli %scan3A_211, %mul3A_305 : i32
      %add3A_307 = arith.constant 3 : i32
      %add3A_308 = arith.addi %mul3A_306, %add3A_307 : i32
      %mul3A_309 = arith.constant 16 : i32
      %mul3A_310 = arith.muli %add3A_308, %mul3A_309 : i32
      %get3A_311 = arith.index_cast %mul3A_310 : i32 to index
      %get3A_312 = tpu.vector_load %arg9[%get3A_311] {strides = array<i32>} : memref<1024xf32, #tpu.memory_space<vmem>>, vector<16xf32>,
      %get3A_313 = vector.shape_cast %get3A_312 : vector<16xf32> to vector<16xf32>
      %sub3A_314 = arith.subf %get3A_304, %get3A_313 : vector<16xf32>
      %abs3A_315 = math.absf %sub3A_314 : vector<16xf32>
      %mul3A_316 = arith.mulf %gather3A_295, %abs3A_315 : vector<16xf32>
      %add3A_317 = arith.addf %add3A_292, %mul3A_316 : vector<16xf32>
      scf.yield %add3A_317, %add3A_219 : vector<16xf32>, vector<16xf32>
    }
    %scan3A_112 = arith.constant 4 : i32
    %dma_wait3A_113 = arith.constant 256 : i32
    %dma_wait3A_114 = tpu.memref_slice %arg11[%dma_wait3A_113] : memref<1024xf32, #tpu.memory_space<vmem>> -> memref<256xf32, #tpu.memory_space<vmem>>
    %dma_wait3A_115 = arith.constant 0 : i32
    %dma_wait3A_116 = tpu.memref_slice %arg2[%dma_wait3A_115] : memref<2097152xf32, #tpu.memory_space<hbm>> -> memref<256xf32, #tpu.memory_space<hbm>>
    %dma_wait3A_117 = arith.constant 256 : i32
    %dma_wait3A_118 = tpu.memref_slice %arg11[%dma_wait3A_117] : memref<1024xf32, #tpu.memory_space<vmem>> -> memref<256xf32, #tpu.memory_space<vmem>>
    %dma_wait3A_119 = arith.constant 0 : i32
    %dma_wait3A_120 = tpu.memref_slice %arg2[%dma_wait3A_119] : memref<2097152xf32, #tpu.memory_space<hbm>> -> memref<256xf32, #tpu.memory_space<hbm>>
    tpu.wait_dma2 semaphore(%arg18 : memref<!tpu.dma_semaphore, #tpu.memory_space<semaphore_mem>>) src(%dma_wait3A_120 : memref<256xf32, #tpu.memory_space<hbm>>) dst(%dma_wait3A_118 : memref<256xf32, #tpu.memory_space<vmem>>)
    %scan3A_121 = arith.constant 4 : i32
    %scan3A_122 = arith.constant 4 : i32
    %scan3A_123 = arith.addi %scan3A_121, %scan3A_122 : i32
    %scan3A_124 = arith.constant 1 : i32
    %scan3A_125:2 = scf.for %scan3A_211 = %scan3A_121 to %scan3A_123 step %scan3A_124 iter_args(%scan3A_212 = %scan3A_111#0, %scan3A_213 = %scan3A_111#1) -> (vector<16xf32>, vector<16xf32>)  : i32 {
      %mul3A_214 = arith.constant 16 : i32
      %mul3A_215 = arith.muli %scan3A_211, %mul3A_214 : i32
      %get3A = arith.index_cast %mul3A_215 : i32 to index
      %get3A_216 = tpu.vector_load %arg8[%get3A] {strides = array<i32>} : memref<256xi32, #tpu.memory_space<vmem>>, vector<16xi32>,
      %get3A_217 = vector.shape_cast %get3A_216 : vector<16xi32> to vector<16xi32>
      %convert_element_type3A_218 = arith.sitofp %get3A_217 : vector<16xi32> to vector<16xf32>
      %add3A_219 = arith.addf %scan3A_213, %convert_element_type3A_218 : vector<16xf32>
      %broadcast_in_dim3A_220 = vector.shape_cast %add3A_26 : vector<16xi32> to vector<16x1xi32>
      %gather3A_221 = vector.shape_cast %broadcast_in_dim3A_220 : vector<16x1xi32> to vector<16xi32>
      %gather3A_222 = tpu.dynamic_gather %convert_element_type3A_218[%gather3A_221] in [0] : vector<16xf32>, vector<16xi32> -> vector<16xf32>
      %mul3A_223 = arith.constant 4 : i32
      %mul3A_224 = arith.muli %scan3A_211, %mul3A_223 : i32
      %add3A_225 = arith.constant 0 : i32
      %add3A_226 = arith.addi %mul3A_224, %add3A_225 : i32
      %mul3A_227 = arith.constant 16 : i32
      %mul3A_228 = arith.muli %add3A_226, %mul3A_227 : i32
      %get3A_229 = arith.index_cast %mul3A_228 : i32 to index
      %get3A_230 = tpu.vector_load %arg11[%get3A_229] {strides = array<i32>} : memref<1024xf32, #tpu.memory_space<vmem>>, vector<16xf32>,
      %get3A_231 = vector.shape_cast %get3A_230 : vector<16xf32> to vector<16xf32>
      %mul3A_232 = arith.constant 4 : i32
      %mul3A_233 = arith.muli %scan3A_211, %mul3A_232 : i32
      %add3A_234 = arith.constant 0 : i32
      %add3A_235 = arith.addi %mul3A_233, %add3A_234 : i32
      %mul3A_236 = arith.constant 16 : i32
      %mul3A_237 = arith.muli %add3A_235, %mul3A_236 : i32
      %get3A_238 = arith.index_cast %mul3A_237 : i32 to index
      %get3A_239 = tpu.vector_load %arg9[%get3A_238] {strides = array<i32>} : memref<1024xf32, #tpu.memory_space<vmem>>, vector<16xf32>,
      %get3A_240 = vector.shape_cast %get3A_239 : vector<16xf32> to vector<16xf32>
      %sub3A = arith.subf %get3A_231, %get3A_240 : vector<16xf32>
      %abs3A = math.absf %sub3A : vector<16xf32>
      %mul3A_241 = arith.mulf %gather3A_222, %abs3A : vector<16xf32>
      %add3A_242 = arith.addf %scan3A_212, %mul3A_241 : vector<16xf32>
      %broadcast_in_dim3A_243 = vector.shape_cast %add3A_29 : vector<16xi32> to vector<16x1xi32>
      %gather3A_244 = vector.shape_cast %broadcast_in_dim3A_243 : vector<16x1xi32> to vector<16xi32>
      %gather3A_245 = tpu.dynamic_gather %convert_element_type3A_218[%gather3A_244] in [0] : vector<16xf32>, vector<16xi32> -> vector<16xf32>
      %mul3A_246 = arith.constant 4 : i32
      %mul3A_247 = arith.muli %scan3A_211, %mul3A_246 : i32
      %add3A_248 = arith.constant 1 : i32
      %add3A_249 = arith.addi %mul3A_247, %add3A_248 : i32
      %mul3A_250 = arith.constant 16 : i32
      %mul3A_251 = arith.muli %add3A_249, %mul3A_250 : i32
      %get3A_252 = arith.index_cast %mul3A_251 : i32 to index
      %get3A_253 = tpu.vector_load %arg11[%get3A_252] {strides = array<i32>} : memref<1024xf32, #tpu.memory_space<vmem>>, vector<16xf32>,
      %get3A_254 = vector.shape_cast %get3A_253 : vector<16xf32> to vector<16xf32>
      %mul3A_255 = arith.constant 4 : i32
      %mul3A_256 = arith.muli %scan3A_211, %mul3A_255 : i32
      %add3A_257 = arith.constant 1 : i32
      %add3A_258 = arith.addi %mul3A_256, %add3A_257 : i32
      %mul3A_259 = arith.constant 16 : i32
      %mul3A_260 = arith.muli %add3A_258, %mul3A_259 : i32
      %get3A_261 = arith.index_cast %mul3A_260 : i32 to index
      %get3A_262 = tpu.vector_load %arg9[%get3A_261] {strides = array<i32>} : memref<1024xf32, #tpu.memory_space<vmem>>, vector<16xf32>,
      %get3A_263 = vector.shape_cast %get3A_262 : vector<16xf32> to vector<16xf32>
      %sub3A_264 = arith.subf %get3A_254, %get3A_263 : vector<16xf32>
      %abs3A_265 = math.absf %sub3A_264 : vector<16xf32>
      %mul3A_266 = arith.mulf %gather3A_245, %abs3A_265 : vector<16xf32>
      %add3A_267 = arith.addf %add3A_242, %mul3A_266 : vector<16xf32>
      %broadcast_in_dim3A_268 = vector.shape_cast %add3A_32 : vector<16xi32> to vector<16x1xi32>
      %gather3A_269 = vector.shape_cast %broadcast_in_dim3A_268 : vector<16x1xi32> to vector<16xi32>
      %gather3A_270 = tpu.dynamic_gather %convert_element_type3A_218[%gather3A_269] in [0] : vector<16xf32>, vector<16xi32> -> vector<16xf32>
      %mul3A_271 = arith.constant 4 : i32
      %mul3A_272 = arith.muli %scan3A_211, %mul3A_271 : i32
      %add3A_273 = arith.constant 2 : i32
      %add3A_274 = arith.addi %mul3A_272, %add3A_273 : i32
      %mul3A_275 = arith.constant 16 : i32
      %mul3A_276 = arith.muli %add3A_274, %mul3A_275 : i32
      %get3A_277 = arith.index_cast %mul3A_276 : i32 to index
      %get3A_278 = tpu.vector_load %arg11[%get3A_277] {strides = array<i32>} : memref<1024xf32, #tpu.memory_space<vmem>>, vector<16xf32>,
      %get3A_279 = vector.shape_cast %get3A_278 : vector<16xf32> to vector<16xf32>
      %mul3A_280 = arith.constant 4 : i32
      %mul3A_281 = arith.muli %scan3A_211, %mul3A_280 : i32
      %add3A_282 = arith.constant 2 : i32
      %add3A_283 = arith.addi %mul3A_281, %add3A_282 : i32
      %mul3A_284 = arith.constant 16 : i32
      %mul3A_285 = arith.muli %add3A_283, %mul3A_284 : i32
      %get3A_286 = arith.index_cast %mul3A_285 : i32 to index
      %get3A_287 = tpu.vector_load %arg9[%get3A_286] {strides = array<i32>} : memref<1024xf32, #tpu.memory_space<vmem>>, vector<16xf32>,
      %get3A_288 = vector.shape_cast %get3A_287 : vector<16xf32> to vector<16xf32>
      %sub3A_289 = arith.subf %get3A_279, %get3A_288 : vector<16xf32>
      %abs3A_290 = math.absf %sub3A_289 : vector<16xf32>
      %mul3A_291 = arith.mulf %gather3A_270, %abs3A_290 : vector<16xf32>
      %add3A_292 = arith.addf %add3A_267, %mul3A_291 : vector<16xf32>
      %broadcast_in_dim3A_293 = vector.shape_cast %add3A_35 : vector<16xi32> to vector<16x1xi32>
      %gather3A_294 = vector.shape_cast %broadcast_in_dim3A_293 : vector<16x1xi32> to vector<16xi32>
      %gather3A_295 = tpu.dynamic_gather %convert_element_type3A_218[%gather3A_294] in [0] : vector<16xf32>, vector<16xi32> -> vector<16xf32>
      %mul3A_296 = arith.constant 4 : i32
      %mul3A_297 = arith.muli %scan3A_211, %mul3A_296 : i32
      %add3A_298 = arith.constant 3 : i32
      %add3A_299 = arith.addi %mul3A_297, %add3A_298 : i32
      %mul3A_300 = arith.constant 16 : i32
      %mul3A_301 = arith.muli %add3A_299, %mul3A_300 : i32
      %get3A_302 = arith.index_cast %mul3A_301 : i32 to index
      %get3A_303 = tpu.vector_load %arg11[%get3A_302] {strides = array<i32>} : memref<1024xf32, #tpu.memory_space<vmem>>, vector<16xf32>,
      %get3A_304 = vector.shape_cast %get3A_303 : vector<16xf32> to vector<16xf32>
      %mul3A_305 = arith.constant 4 : i32
      %mul3A_306 = arith.muli %scan3A_211, %mul3A_305 : i32
      %add3A_307 = arith.constant 3 : i32
      %add3A_308 = arith.addi %mul3A_306, %add3A_307 : i32
      %mul3A_309 = arith.constant 16 : i32
      %mul3A_310 = arith.muli %add3A_308, %mul3A_309 : i32
      %get3A_311 = arith.index_cast %mul3A_310 : i32 to index
      %get3A_312 = tpu.vector_load %arg9[%get3A_311] {strides = array<i32>} : memref<1024xf32, #tpu.memory_space<vmem>>, vector<16xf32>,
      %get3A_313 = vector.shape_cast %get3A_312 : vector<16xf32> to vector<16xf32>
      %sub3A_314 = arith.subf %get3A_304, %get3A_313 : vector<16xf32>
      %abs3A_315 = math.absf %sub3A_314 : vector<16xf32>
      %mul3A_316 = arith.mulf %gather3A_295, %abs3A_315 : vector<16xf32>
      %add3A_317 = arith.addf %add3A_292, %mul3A_316 : vector<16xf32>
      scf.yield %add3A_317, %add3A_219 : vector<16xf32>, vector<16xf32>
    }
    %scan3A_126 = arith.constant 4 : i32
    %dma_wait3A_127 = arith.constant 512 : i32
    %dma_wait3A_128 = tpu.memref_slice %arg11[%dma_wait3A_127] : memref<1024xf32, #tpu.memory_space<vmem>> -> memref<256xf32, #tpu.memory_space<vmem>>
    %dma_wait3A_129 = arith.constant 0 : i32
    %dma_wait3A_130 = tpu.memref_slice %arg2[%dma_wait3A_129] : memref<2097152xf32, #tpu.memory_space<hbm>> -> memref<256xf32, #tpu.memory_space<hbm>>
    %dma_wait3A_131 = arith.constant 512 : i32
    %dma_wait3A_132 = tpu.memref_slice %arg11[%dma_wait3A_131] : memref<1024xf32, #tpu.memory_space<vmem>> -> memref<256xf32, #tpu.memory_space<vmem>>
    %dma_wait3A_133 = arith.constant 0 : i32
    %dma_wait3A_134 = tpu.memref_slice %arg2[%dma_wait3A_133] : memref<2097152xf32, #tpu.memory_space<hbm>> -> memref<256xf32, #tpu.memory_space<hbm>>
    tpu.wait_dma2 semaphore(%arg19 : memref<!tpu.dma_semaphore, #tpu.memory_space<semaphore_mem>>) src(%dma_wait3A_134 : memref<256xf32, #tpu.memory_space<hbm>>) dst(%dma_wait3A_132 : memref<256xf32, #tpu.memory_space<vmem>>)
    %scan3A_135 = arith.constant 8 : i32
    %scan3A_136 = arith.constant 4 : i32
    %scan3A_137 = arith.addi %scan3A_135, %scan3A_136 : i32
    %scan3A_138 = arith.constant 1 : i32
    %scan3A_139:2 = scf.for %scan3A_211 = %scan3A_135 to %scan3A_137 step %scan3A_138 iter_args(%scan3A_212 = %scan3A_125#0, %scan3A_213 = %scan3A_125#1) -> (vector<16xf32>, vector<16xf32>)  : i32 {
      %mul3A_214 = arith.constant 16 : i32
      %mul3A_215 = arith.muli %scan3A_211, %mul3A_214 : i32
      %get3A = arith.index_cast %mul3A_215 : i32 to index
      %get3A_216 = tpu.vector_load %arg8[%get3A] {strides = array<i32>} : memref<256xi32, #tpu.memory_space<vmem>>, vector<16xi32>,
      %get3A_217 = vector.shape_cast %get3A_216 : vector<16xi32> to vector<16xi32>
      %convert_element_type3A_218 = arith.sitofp %get3A_217 : vector<16xi32> to vector<16xf32>
      %add3A_219 = arith.addf %scan3A_213, %convert_element_type3A_218 : vector<16xf32>
      %broadcast_in_dim3A_220 = vector.shape_cast %add3A_26 : vector<16xi32> to vector<16x1xi32>
      %gather3A_221 = vector.shape_cast %broadcast_in_dim3A_220 : vector<16x1xi32> to vector<16xi32>
      %gather3A_222 = tpu.dynamic_gather %convert_element_type3A_218[%gather3A_221] in [0] : vector<16xf32>, vector<16xi32> -> vector<16xf32>
      %mul3A_223 = arith.constant 4 : i32
      %mul3A_224 = arith.muli %scan3A_211, %mul3A_223 : i32
      %add3A_225 = arith.constant 0 : i32
      %add3A_226 = arith.addi %mul3A_224, %add3A_225 : i32
      %mul3A_227 = arith.constant 16 : i32
      %mul3A_228 = arith.muli %add3A_226, %mul3A_227 : i32
      %get3A_229 = arith.index_cast %mul3A_228 : i32 to index
      %get3A_230 = tpu.vector_load %arg11[%get3A_229] {strides = array<i32>} : memref<1024xf32, #tpu.memory_space<vmem>>, vector<16xf32>,
      %get3A_231 = vector.shape_cast %get3A_230 : vector<16xf32> to vector<16xf32>
      %mul3A_232 = arith.constant 4 : i32
      %mul3A_233 = arith.muli %scan3A_211, %mul3A_232 : i32
      %add3A_234 = arith.constant 0 : i32
      %add3A_235 = arith.addi %mul3A_233, %add3A_234 : i32
      %mul3A_236 = arith.constant 16 : i32
      %mul3A_237 = arith.muli %add3A_235, %mul3A_236 : i32
      %get3A_238 = arith.index_cast %mul3A_237 : i32 to index
      %get3A_239 = tpu.vector_load %arg9[%get3A_238] {strides = array<i32>} : memref<1024xf32, #tpu.memory_space<vmem>>, vector<16xf32>,
      %get3A_240 = vector.shape_cast %get3A_239 : vector<16xf32> to vector<16xf32>
      %sub3A = arith.subf %get3A_231, %get3A_240 : vector<16xf32>
      %abs3A = math.absf %sub3A : vector<16xf32>
      %mul3A_241 = arith.mulf %gather3A_222, %abs3A : vector<16xf32>
      %add3A_242 = arith.addf %scan3A_212, %mul3A_241 : vector<16xf32>
      %broadcast_in_dim3A_243 = vector.shape_cast %add3A_29 : vector<16xi32> to vector<16x1xi32>
      %gather3A_244 = vector.shape_cast %broadcast_in_dim3A_243 : vector<16x1xi32> to vector<16xi32>
      %gather3A_245 = tpu.dynamic_gather %convert_element_type3A_218[%gather3A_244] in [0] : vector<16xf32>, vector<16xi32> -> vector<16xf32>
      %mul3A_246 = arith.constant 4 : i32
      %mul3A_247 = arith.muli %scan3A_211, %mul3A_246 : i32
      %add3A_248 = arith.constant 1 : i32
      %add3A_249 = arith.addi %mul3A_247, %add3A_248 : i32
      %mul3A_250 = arith.constant 16 : i32
      %mul3A_251 = arith.muli %add3A_249, %mul3A_250 : i32
      %get3A_252 = arith.index_cast %mul3A_251 : i32 to index
      %get3A_253 = tpu.vector_load %arg11[%get3A_252] {strides = array<i32>} : memref<1024xf32, #tpu.memory_space<vmem>>, vector<16xf32>,
      %get3A_254 = vector.shape_cast %get3A_253 : vector<16xf32> to vector<16xf32>
      %mul3A_255 = arith.constant 4 : i32
      %mul3A_256 = arith.muli %scan3A_211, %mul3A_255 : i32
      %add3A_257 = arith.constant 1 : i32
      %add3A_258 = arith.addi %mul3A_256, %add3A_257 : i32
      %mul3A_259 = arith.constant 16 : i32
      %mul3A_260 = arith.muli %add3A_258, %mul3A_259 : i32
      %get3A_261 = arith.index_cast %mul3A_260 : i32 to index
      %get3A_262 = tpu.vector_load %arg9[%get3A_261] {strides = array<i32>} : memref<1024xf32, #tpu.memory_space<vmem>>, vector<16xf32>,
      %get3A_263 = vector.shape_cast %get3A_262 : vector<16xf32> to vector<16xf32>
      %sub3A_264 = arith.subf %get3A_254, %get3A_263 : vector<16xf32>
      %abs3A_265 = math.absf %sub3A_264 : vector<16xf32>
      %mul3A_266 = arith.mulf %gather3A_245, %abs3A_265 : vector<16xf32>
      %add3A_267 = arith.addf %add3A_242, %mul3A_266 : vector<16xf32>
      %broadcast_in_dim3A_268 = vector.shape_cast %add3A_32 : vector<16xi32> to vector<16x1xi32>
      %gather3A_269 = vector.shape_cast %broadcast_in_dim3A_268 : vector<16x1xi32> to vector<16xi32>
      %gather3A_270 = tpu.dynamic_gather %convert_element_type3A_218[%gather3A_269] in [0] : vector<16xf32>, vector<16xi32> -> vector<16xf32>
      %mul3A_271 = arith.constant 4 : i32
      %mul3A_272 = arith.muli %scan3A_211, %mul3A_271 : i32
      %add3A_273 = arith.constant 2 : i32
      %add3A_274 = arith.addi %mul3A_272, %add3A_273 : i32
      %mul3A_275 = arith.constant 16 : i32
      %mul3A_276 = arith.muli %add3A_274, %mul3A_275 : i32
      %get3A_277 = arith.index_cast %mul3A_276 : i32 to index
      %get3A_278 = tpu.vector_load %arg11[%get3A_277] {strides = array<i32>} : memref<1024xf32, #tpu.memory_space<vmem>>, vector<16xf32>,
      %get3A_279 = vector.shape_cast %get3A_278 : vector<16xf32> to vector<16xf32>
      %mul3A_280 = arith.constant 4 : i32
      %mul3A_281 = arith.muli %scan3A_211, %mul3A_280 : i32
      %add3A_282 = arith.constant 2 : i32
      %add3A_283 = arith.addi %mul3A_281, %add3A_282 : i32
      %mul3A_284 = arith.constant 16 : i32
      %mul3A_285 = arith.muli %add3A_283, %mul3A_284 : i32
      %get3A_286 = arith.index_cast %mul3A_285 : i32 to index
      %get3A_287 = tpu.vector_load %arg9[%get3A_286] {strides = array<i32>} : memref<1024xf32, #tpu.memory_space<vmem>>, vector<16xf32>,
      %get3A_288 = vector.shape_cast %get3A_287 : vector<16xf32> to vector<16xf32>
      %sub3A_289 = arith.subf %get3A_279, %get3A_288 : vector<16xf32>
      %abs3A_290 = math.absf %sub3A_289 : vector<16xf32>
      %mul3A_291 = arith.mulf %gather3A_270, %abs3A_290 : vector<16xf32>
      %add3A_292 = arith.addf %add3A_267, %mul3A_291 : vector<16xf32>
      %broadcast_in_dim3A_293 = vector.shape_cast %add3A_35 : vector<16xi32> to vector<16x1xi32>
      %gather3A_294 = vector.shape_cast %broadcast_in_dim3A_293 : vector<16x1xi32> to vector<16xi32>
      %gather3A_295 = tpu.dynamic_gather %convert_element_type3A_218[%gather3A_294] in [0] : vector<16xf32>, vector<16xi32> -> vector<16xf32>
      %mul3A_296 = arith.constant 4 : i32
      %mul3A_297 = arith.muli %scan3A_211, %mul3A_296 : i32
      %add3A_298 = arith.constant 3 : i32
      %add3A_299 = arith.addi %mul3A_297, %add3A_298 : i32
      %mul3A_300 = arith.constant 16 : i32
      %mul3A_301 = arith.muli %add3A_299, %mul3A_300 : i32
      %get3A_302 = arith.index_cast %mul3A_301 : i32 to index
      %get3A_303 = tpu.vector_load %arg11[%get3A_302] {strides = array<i32>} : memref<1024xf32, #tpu.memory_space<vmem>>, vector<16xf32>,
      %get3A_304 = vector.shape_cast %get3A_303 : vector<16xf32> to vector<16xf32>
      %mul3A_305 = arith.constant 4 : i32
      %mul3A_306 = arith.muli %scan3A_211, %mul3A_305 : i32
      %add3A_307 = arith.constant 3 : i32
      %add3A_308 = arith.addi %mul3A_306, %add3A_307 : i32
      %mul3A_309 = arith.constant 16 : i32
      %mul3A_310 = arith.muli %add3A_308, %mul3A_309 : i32
      %get3A_311 = arith.index_cast %mul3A_310 : i32 to index
      %get3A_312 = tpu.vector_load %arg9[%get3A_311] {strides = array<i32>} : memref<1024xf32, #tpu.memory_space<vmem>>, vector<16xf32>,
      %get3A_313 = vector.shape_cast %get3A_312 : vector<16xf32> to vector<16xf32>
      %sub3A_314 = arith.subf %get3A_304, %get3A_313 : vector<16xf32>
      %abs3A_315 = math.absf %sub3A_314 : vector<16xf32>
      %mul3A_316 = arith.mulf %gather3A_295, %abs3A_315 : vector<16xf32>
      %add3A_317 = arith.addf %add3A_292, %mul3A_316 : vector<16xf32>
      scf.yield %add3A_317, %add3A_219 : vector<16xf32>, vector<16xf32>
    }
    %scan3A_140 = arith.constant 4 : i32
    %dma_wait3A_141 = arith.constant 768 : i32
    %dma_wait3A_142 = tpu.memref_slice %arg11[%dma_wait3A_141] : memref<1024xf32, #tpu.memory_space<vmem>> -> memref<256xf32, #tpu.memory_space<vmem>>
    %dma_wait3A_143 = arith.constant 0 : i32
    %dma_wait3A_144 = tpu.memref_slice %arg2[%dma_wait3A_143] : memref<2097152xf32, #tpu.memory_space<hbm>> -> memref<256xf32, #tpu.memory_space<hbm>>
    %dma_wait3A_145 = arith.constant 768 : i32
    %dma_wait3A_146 = tpu.memref_slice %arg11[%dma_wait3A_145] : memref<1024xf32, #tpu.memory_space<vmem>> -> memref<256xf32, #tpu.memory_space<vmem>>
    %dma_wait3A_147 = arith.constant 0 : i32
    %dma_wait3A_148 = tpu.memref_slice %arg2[%dma_wait3A_147] : memref<2097152xf32, #tpu.memory_space<hbm>> -> memref<256xf32, #tpu.memory_space<hbm>>
    tpu.wait_dma2 semaphore(%arg20 : memref<!tpu.dma_semaphore, #tpu.memory_space<semaphore_mem>>) src(%dma_wait3A_148 : memref<256xf32, #tpu.memory_space<hbm>>) dst(%dma_wait3A_146 : memref<256xf32, #tpu.memory_space<vmem>>)
    %scan3A_149 = arith.constant 12 : i32
    %scan3A_150 = arith.constant 4 : i32
    %scan3A_151 = arith.addi %scan3A_149, %scan3A_150 : i32
    %scan3A_152 = arith.constant 1 : i32
    %scan3A_153:2 = scf.for %scan3A_211 = %scan3A_149 to %scan3A_151 step %scan3A_152 iter_args(%scan3A_212 = %scan3A_139#0, %scan3A_213 = %scan3A_139#1) -> (vector<16xf32>, vector<16xf32>)  : i32 {
      %mul3A_214 = arith.constant 16 : i32
      %mul3A_215 = arith.muli %scan3A_211, %mul3A_214 : i32
      %get3A = arith.index_cast %mul3A_215 : i32 to index
      %get3A_216 = tpu.vector_load %arg8[%get3A] {strides = array<i32>} : memref<256xi32, #tpu.memory_space<vmem>>, vector<16xi32>,
      %get3A_217 = vector.shape_cast %get3A_216 : vector<16xi32> to vector<16xi32>
      %convert_element_type3A_218 = arith.sitofp %get3A_217 : vector<16xi32> to vector<16xf32>
      %add3A_219 = arith.addf %scan3A_213, %convert_element_type3A_218 : vector<16xf32>
      %broadcast_in_dim3A_220 = vector.shape_cast %add3A_26 : vector<16xi32> to vector<16x1xi32>
      %gather3A_221 = vector.shape_cast %broadcast_in_dim3A_220 : vector<16x1xi32> to vector<16xi32>
      %gather3A_222 = tpu.dynamic_gather %convert_element_type3A_218[%gather3A_221] in [0] : vector<16xf32>, vector<16xi32> -> vector<16xf32>
      %mul3A_223 = arith.constant 4 : i32
      %mul3A_224 = arith.muli %scan3A_211, %mul3A_223 : i32
      %add3A_225 = arith.constant 0 : i32
      %add3A_226 = arith.addi %mul3A_224, %add3A_225 : i32
      %mul3A_227 = arith.constant 16 : i32
      %mul3A_228 = arith.muli %add3A_226, %mul3A_227 : i32
      %get3A_229 = arith.index_cast %mul3A_228 : i32 to index
      %get3A_230 = tpu.vector_load %arg11[%get3A_229] {strides = array<i32>} : memref<1024xf32, #tpu.memory_space<vmem>>, vector<16xf32>,
      %get3A_231 = vector.shape_cast %get3A_230 : vector<16xf32> to vector<16xf32>
      %mul3A_232 = arith.constant 4 : i32
      %mul3A_233 = arith.muli %scan3A_211, %mul3A_232 : i32
      %add3A_234 = arith.constant 0 : i32
      %add3A_235 = arith.addi %mul3A_233, %add3A_234 : i32
      %mul3A_236 = arith.constant 16 : i32
      %mul3A_237 = arith.muli %add3A_235, %mul3A_236 : i32
      %get3A_238 = arith.index_cast %mul3A_237 : i32 to index
      %get3A_239 = tpu.vector_load %arg9[%get3A_238] {strides = array<i32>} : memref<1024xf32, #tpu.memory_space<vmem>>, vector<16xf32>,
      %get3A_240 = vector.shape_cast %get3A_239 : vector<16xf32> to vector<16xf32>
      %sub3A = arith.subf %get3A_231, %get3A_240 : vector<16xf32>
      %abs3A = math.absf %sub3A : vector<16xf32>
      %mul3A_241 = arith.mulf %gather3A_222, %abs3A : vector<16xf32>
      %add3A_242 = arith.addf %scan3A_212, %mul3A_241 : vector<16xf32>
      %broadcast_in_dim3A_243 = vector.shape_cast %add3A_29 : vector<16xi32> to vector<16x1xi32>
      %gather3A_244 = vector.shape_cast %broadcast_in_dim3A_243 : vector<16x1xi32> to vector<16xi32>
      %gather3A_245 = tpu.dynamic_gather %convert_element_type3A_218[%gather3A_244] in [0] : vector<16xf32>, vector<16xi32> -> vector<16xf32>
      %mul3A_246 = arith.constant 4 : i32
      %mul3A_247 = arith.muli %scan3A_211, %mul3A_246 : i32
      %add3A_248 = arith.constant 1 : i32
      %add3A_249 = arith.addi %mul3A_247, %add3A_248 : i32
      %mul3A_250 = arith.constant 16 : i32
      %mul3A_251 = arith.muli %add3A_249, %mul3A_250 : i32
      %get3A_252 = arith.index_cast %mul3A_251 : i32 to index
      %get3A_253 = tpu.vector_load %arg11[%get3A_252] {strides = array<i32>} : memref<1024xf32, #tpu.memory_space<vmem>>, vector<16xf32>,
      %get3A_254 = vector.shape_cast %get3A_253 : vector<16xf32> to vector<16xf32>
      %mul3A_255 = arith.constant 4 : i32
      %mul3A_256 = arith.muli %scan3A_211, %mul3A_255 : i32
      %add3A_257 = arith.constant 1 : i32
      %add3A_258 = arith.addi %mul3A_256, %add3A_257 : i32
      %mul3A_259 = arith.constant 16 : i32
      %mul3A_260 = arith.muli %add3A_258, %mul3A_259 : i32
      %get3A_261 = arith.index_cast %mul3A_260 : i32 to index
      %get3A_262 = tpu.vector_load %arg9[%get3A_261] {strides = array<i32>} : memref<1024xf32, #tpu.memory_space<vmem>>, vector<16xf32>,
      %get3A_263 = vector.shape_cast %get3A_262 : vector<16xf32> to vector<16xf32>
      %sub3A_264 = arith.subf %get3A_254, %get3A_263 : vector<16xf32>
      %abs3A_265 = math.absf %sub3A_264 : vector<16xf32>
      %mul3A_266 = arith.mulf %gather3A_245, %abs3A_265 : vector<16xf32>
      %add3A_267 = arith.addf %add3A_242, %mul3A_266 : vector<16xf32>
      %broadcast_in_dim3A_268 = vector.shape_cast %add3A_32 : vector<16xi32> to vector<16x1xi32>
      %gather3A_269 = vector.shape_cast %broadcast_in_dim3A_268 : vector<16x1xi32> to vector<16xi32>
      %gather3A_270 = tpu.dynamic_gather %convert_element_type3A_218[%gather3A_269] in [0] : vector<16xf32>, vector<16xi32> -> vector<16xf32>
      %mul3A_271 = arith.constant 4 : i32
      %mul3A_272 = arith.muli %scan3A_211, %mul3A_271 : i32
      %add3A_273 = arith.constant 2 : i32
      %add3A_274 = arith.addi %mul3A_272, %add3A_273 : i32
      %mul3A_275 = arith.constant 16 : i32
      %mul3A_276 = arith.muli %add3A_274, %mul3A_275 : i32
      %get3A_277 = arith.index_cast %mul3A_276 : i32 to index
      %get3A_278 = tpu.vector_load %arg11[%get3A_277] {strides = array<i32>} : memref<1024xf32, #tpu.memory_space<vmem>>, vector<16xf32>,
      %get3A_279 = vector.shape_cast %get3A_278 : vector<16xf32> to vector<16xf32>
      %mul3A_280 = arith.constant 4 : i32
      %mul3A_281 = arith.muli %scan3A_211, %mul3A_280 : i32
      %add3A_282 = arith.constant 2 : i32
      %add3A_283 = arith.addi %mul3A_281, %add3A_282 : i32
      %mul3A_284 = arith.constant 16 : i32
      %mul3A_285 = arith.muli %add3A_283, %mul3A_284 : i32
      %get3A_286 = arith.index_cast %mul3A_285 : i32 to index
      %get3A_287 = tpu.vector_load %arg9[%get3A_286] {strides = array<i32>} : memref<1024xf32, #tpu.memory_space<vmem>>, vector<16xf32>,
      %get3A_288 = vector.shape_cast %get3A_287 : vector<16xf32> to vector<16xf32>
      %sub3A_289 = arith.subf %get3A_279, %get3A_288 : vector<16xf32>
      %abs3A_290 = math.absf %sub3A_289 : vector<16xf32>
      %mul3A_291 = arith.mulf %gather3A_270, %abs3A_290 : vector<16xf32>
      %add3A_292 = arith.addf %add3A_267, %mul3A_291 : vector<16xf32>
      %broadcast_in_dim3A_293 = vector.shape_cast %add3A_35 : vector<16xi32> to vector<16x1xi32>
      %gather3A_294 = vector.shape_cast %broadcast_in_dim3A_293 : vector<16x1xi32> to vector<16xi32>
      %gather3A_295 = tpu.dynamic_gather %convert_element_type3A_218[%gather3A_294] in [0] : vector<16xf32>, vector<16xi32> -> vector<16xf32>
      %mul3A_296 = arith.constant 4 : i32
      %mul3A_297 = arith.muli %scan3A_211, %mul3A_296 : i32
      %add3A_298 = arith.constant 3 : i32
      %add3A_299 = arith.addi %mul3A_297, %add3A_298 : i32
      %mul3A_300 = arith.constant 16 : i32
      %mul3A_301 = arith.muli %add3A_299, %mul3A_300 : i32
      %get3A_302 = arith.index_cast %mul3A_301 : i32 to index
      %get3A_303 = tpu.vector_load %arg11[%get3A_302] {strides = array<i32>} : memref<1024xf32, #tpu.memory_space<vmem>>, vector<16xf32>,
      %get3A_304 = vector.shape_cast %get3A_303 : vector<16xf32> to vector<16xf32>
      %mul3A_305 = arith.constant 4 : i32
      %mul3A_306 = arith.muli %scan3A_211, %mul3A_305 : i32
      %add3A_307 = arith.constant 3 : i32
      %add3A_308 = arith.addi %mul3A_306, %add3A_307 : i32
      %mul3A_309 = arith.constant 16 : i32
      %mul3A_310 = arith.muli %add3A_308, %mul3A_309 : i32
      %get3A_311 = arith.index_cast %mul3A_310 : i32 to index
      %get3A_312 = tpu.vector_load %arg9[%get3A_311] {strides = array<i32>} : memref<1024xf32, #tpu.memory_space<vmem>>, vector<16xf32>,
      %get3A_313 = vector.shape_cast %get3A_312 : vector<16xf32> to vector<16xf32>
      %sub3A_314 = arith.subf %get3A_304, %get3A_313 : vector<16xf32>
      %abs3A_315 = math.absf %sub3A_314 : vector<16xf32>
      %mul3A_316 = arith.mulf %gather3A_295, %abs3A_315 : vector<16xf32>
      %add3A_317 = arith.addf %add3A_292, %mul3A_316 : vector<16xf32>
      scf.yield %add3A_317, %add3A_219 : vector<16xf32>, vector<16xf32>
    }
    %scan3A_154 = arith.constant 4 : i32
    %xor3A = arith.constant 4 : i32
    %xor3A_155 = vector.broadcast %xor3A : i32 to vector<16xi32>
    %xor3A_156 = arith.xori %iota3A, %xor3A_155 : vector<16xi32>
    %broadcast_in_dim3A_157 = vector.shape_cast %xor3A_156 : vector<16xi32> to vector<16x1xi32>
    %gather3A = vector.shape_cast %broadcast_in_dim3A_157 : vector<16x1xi32> to vector<16xi32>
    %gather3A_158 = tpu.dynamic_gather %scan3A_153#0[%gather3A] in [0] : vector<16xf32>, vector<16xi32> -> vector<16xf32>
    %add3A_159 = arith.addf %scan3A_153#0, %gather3A_158 : vector<16xf32>
    %xor3A_160 = arith.constant 8 : i32
    %xor3A_161 = vector.broadcast %xor3A_160 : i32 to vector<16xi32>
    %xor3A_162 = arith.xori %iota3A, %xor3A_161 : vector<16xi32>
    %broadcast_in_dim3A_163 = vector.shape_cast %xor3A_162 : vector<16xi32> to vector<16x1xi32>
    %gather3A_164 = vector.shape_cast %broadcast_in_dim3A_163 : vector<16x1xi32> to vector<16xi32>
    %gather3A_165 = tpu.dynamic_gather %add3A_159[%gather3A_164] in [0] : vector<16xf32>, vector<16xi32> -> vector<16xf32>
    %add3A_166 = arith.addf %add3A_159, %gather3A_165 : vector<16xf32>
    %xor3A_167 = arith.constant 1 : i32
    %xor3A_168 = vector.broadcast %xor3A_167 : i32 to vector<16xi32>
    %xor3A_169 = arith.xori %iota3A, %xor3A_168 : vector<16xi32>
    %broadcast_in_dim3A_170 = vector.shape_cast %xor3A_169 : vector<16xi32> to vector<16x1xi32>
    %gather3A_171 = vector.shape_cast %broadcast_in_dim3A_170 : vector<16x1xi32> to vector<16xi32>
    %gather3A_172 = tpu.dynamic_gather %scan3A_153#1[%gather3A_171] in [0] : vector<16xf32>, vector<16xi32> -> vector<16xf32>
    %add3A_173 = arith.addf %scan3A_153#1, %gather3A_172 : vector<16xf32>
    %xor3A_174 = arith.constant 2 : i32
    %xor3A_175 = vector.broadcast %xor3A_174 : i32 to vector<16xi32>
    %xor3A_176 = arith.xori %iota3A, %xor3A_175 : vector<16xi32>
    %broadcast_in_dim3A_177 = vector.shape_cast %xor3A_176 : vector<16xi32> to vector<16x1xi32>
    %gather3A_178 = vector.shape_cast %broadcast_in_dim3A_177 : vector<16x1xi32> to vector<16xi32>
    %gather3A_179 = tpu.dynamic_gather %add3A_173[%gather3A_178] in [0] : vector<16xf32>, vector<16xi32> -> vector<16xf32>
    %add3A_180 = arith.addf %add3A_173, %gather3A_179 : vector<16xf32>
    %xor3A_181 = arith.constant 4 : i32
    %xor3A_182 = vector.broadcast %xor3A_181 : i32 to vector<16xi32>
    %xor3A_183 = arith.xori %iota3A, %xor3A_182 : vector<16xi32>
    %broadcast_in_dim3A_184 = vector.shape_cast %xor3A_183 : vector<16xi32> to vector<16x1xi32>
    %gather3A_185 = vector.shape_cast %broadcast_in_dim3A_184 : vector<16x1xi32> to vector<16xi32>
    %gather3A_186 = tpu.dynamic_gather %add3A_180[%gather3A_185] in [0] : vector<16xf32>, vector<16xi32> -> vector<16xf32>
    %add3A_187 = arith.addf %add3A_180, %gather3A_186 : vector<16xf32>
    %xor3A_188 = arith.constant 8 : i32
    %xor3A_189 = vector.broadcast %xor3A_188 : i32 to vector<16xi32>
    %xor3A_190 = arith.xori %iota3A, %xor3A_189 : vector<16xi32>
    %broadcast_in_dim3A_191 = vector.shape_cast %xor3A_190 : vector<16xi32> to vector<16x1xi32>
    %gather3A_192 = vector.shape_cast %broadcast_in_dim3A_191 : vector<16x1xi32> to vector<16xi32>
    %gather3A_193 = tpu.dynamic_gather %add3A_187[%gather3A_192] in [0] : vector<16xf32>, vector<16xi32> -> vector<16xf32>
    %add3A_194 = arith.addf %add3A_187, %gather3A_193 : vector<16xf32>
    %lt3A = arith.constant 4 : i32
    %lt3A_195 = vector.broadcast %lt3A : i32 to vector<16xi32>
    %lt3A_196 = arith.cmpi slt, %iota3A, %lt3A_195 : vector<16xi32>
    %jit3A = arith.constant 0.000000e+00 : f32
    %broadcast_in_dim3A_197 = vector.broadcast %jit3A : f32 to vector<16xf32>
    %select_n3A = arith.select %lt3A_196, %add3A_166, %broadcast_in_dim3A_197 : vector<16xi1>, vector<16xf32>
    %eq3A_198 = arith.constant 4 : i32
    %eq3A_199 = vector.broadcast %eq3A_198 : i32 to vector<16xi32>
    %eq3A_200 = arith.cmpi eq, %iota3A, %eq3A_199 : vector<16xi32>
    %select_n3A_201 = arith.select %eq3A_200, %add3A_194, %select_n3A : vector<16xi1>, vector<16xf32>
    %swap3A = arith.constant 0 : index
    %swap3A_202 = tpu.vector_load %arg12[%swap3A] {strides = array<i32>} : memref<16xf32, #tpu.memory_space<vmem>>, vector<16xf32>,
    %swap3A_203 = vector.shape_cast %swap3A_202 : vector<16xf32> to vector<16xf32>
    %swap3A_204 = vector.shape_cast %select_n3A_201 : vector<16xf32> to vector<16xf32>
    tpu.vector_store %arg12[%swap3A], %swap3A_204 {strides = array<i32>} : memref<16xf32, #tpu.memory_space<vmem>>, vector<16xf32>,
    "tpu.region"() ({
      %run_scoped3A = tpu.sem_alloc : memref<!tpu.dma_semaphore, #tpu.memory_space<semaphore_mem>>
      %dma_start3A_211 = arith.constant 0 : i32
      %dma_start3A_212 = tpu.memref_slice %arg14[%dma_start3A_211] : memref<16xf32, #tpu.memory_space<vmem_shared>> -> memref<16xf32, #tpu.memory_space<vmem_shared>>
      tpu.enqueue_indirect_dma source(%arg12 : memref<16xf32, #tpu.memory_space<vmem>>) target(%dma_start3A_212 : memref<16xf32, #tpu.memory_space<vmem_shared>>) offsets(%iota3A : vector<16xi32>) semaphore(%run_scoped3A : memref<!tpu.dma_semaphore, #tpu.memory_space<semaphore_mem>>) {add = true}
      %dma_wait3A_213 = arith.constant 0 : i32
      %dma_wait3A_214 = tpu.memref_slice %arg14[%dma_wait3A_213] : memref<16xf32, #tpu.memory_space<vmem_shared>> -> memref<16xf32, #tpu.memory_space<vmem_shared>>
      tpu.wait_indirect_dma semaphore(%run_scoped3A : memref<!tpu.dma_semaphore, #tpu.memory_space<semaphore_mem>>) src(%arg12 : memref<16xf32, #tpu.memory_space<vmem>>) dst(%dma_wait3A_214 : memref<16xf32, #tpu.memory_space<vmem_shared>>)
      tpu.yield
    }) : () -> ()
    %barrier3A_205 = arith.constant 0 : index
    tpu.barrier barrier_id(%barrier3A_205)
    %eq3A_206 = arith.constant 0 : i32
    %eq3A_207 = arith.cmpi eq, %arg1, %eq3A_206 : i32
    %convert_element_type3A_208 = arith.extui %eq3A_207 : i1 to i32
    %cond3A_209 = arith.constant 0 : i32
    %cond3A_210 = arith.cmpi ne, %convert_element_type3A_208, %cond3A_209 : i32
    scf.if %cond3A_210 {
      "tpu.region"() ({
        %run_scoped3A = tpu.sem_alloc : memref<!tpu.dma_semaphore, #tpu.memory_space<semaphore_mem>>
        tpu.enqueue_dma source(%arg14 : memref<16xf32, #tpu.memory_space<vmem_shared>>) target(%arg13 : memref<16xf32, #tpu.memory_space<vmem>>) target_semaphore(%run_scoped3A : memref<!tpu.dma_semaphore, #tpu.memory_space<semaphore_mem>>)
        tpu.wait_dma2 semaphore(%run_scoped3A : memref<!tpu.dma_semaphore, #tpu.memory_space<semaphore_mem>>) src(%arg14 : memref<16xf32, #tpu.memory_space<vmem_shared>>) dst(%arg13 : memref<16xf32, #tpu.memory_space<vmem>>)
        tpu.yield
      }) : () -> ()
      %get3A = arith.constant 0 : index
      %get3A_211 = tpu.vector_load %arg13[%get3A] {strides = array<i32>} : memref<16xf32, #tpu.memory_space<vmem>>, vector<16xf32>,
      %get3A_212 = vector.shape_cast %get3A_211 : vector<16xf32> to vector<16xf32>
      %broadcast_in_dim3A_213 = arith.constant 4 : i32
      %broadcast_in_dim3A_214 = vector.broadcast %broadcast_in_dim3A_213 : i32 to vector<16xi32>
      %broadcast_in_dim3A_215 = vector.shape_cast %broadcast_in_dim3A_214 : vector<16xi32> to vector<16x1xi32>
      %gather3A_216 = vector.shape_cast %broadcast_in_dim3A_215 : vector<16x1xi32> to vector<16xi32>
      %gather3A_217 = tpu.dynamic_gather %get3A_212[%gather3A_216] in [0] : vector<16xf32>, vector<16xi32> -> vector<16xf32>
      %lt3A_218 = arith.constant 4 : i32
      %lt3A_219 = vector.broadcast %lt3A_218 : i32 to vector<16xi32>
      %lt3A_220 = arith.cmpi slt, %iota3A, %lt3A_219 : vector<16xi32>
      %jit3A_221 = arith.constant 0.000000e+00 : f32
      %broadcast_in_dim3A_222 = vector.broadcast %jit3A_221 : f32 to vector<16xf32>
      %select_n3A_223 = arith.select %lt3A_220, %get3A_212, %broadcast_in_dim3A_222 : vector<16xi1>, vector<16xf32>
      %add3A_224 = arith.constant 9.99999974E-5 : f32
      %add3A_225 = vector.broadcast %add3A_224 : f32 to vector<16xf32>
      %add3A_226 = arith.addf %gather3A_217, %add3A_225 : vector<16xf32>
      %div3A = arith.divf %select_n3A_223, %add3A_226 : vector<16xf32>
      %swap3A_227 = arith.constant 0 : index
      %swap3A_228 = tpu.vector_load %arg13[%swap3A_227] {strides = array<i32>} : memref<16xf32, #tpu.memory_space<vmem>>, vector<16xf32>,
      %swap3A_229 = vector.shape_cast %swap3A_228 : vector<16xf32> to vector<16xf32>
      %swap3A_230 = vector.shape_cast %div3A : vector<16xf32> to vector<16xf32>
      tpu.vector_store %arg13[%swap3A_227], %swap3A_230 {strides = array<i32>} : memref<16xf32, #tpu.memory_space<vmem>>, vector<16xf32>,
      "tpu.region"() ({
        %run_scoped3A = tpu.sem_alloc : memref<!tpu.dma_semaphore, #tpu.memory_space<semaphore_mem>>
        %dma_start3A_231 = arith.constant 0 : i32
        %dma_start3A_232 = tpu.memref_slice %arg13[%dma_start3A_231] : memref<16xf32, #tpu.memory_space<vmem>> -> memref<4xf32, #tpu.memory_space<vmem>>
        %dma_start3A_233 = arith.constant 0 : i32
        %dma_start3A_234 = tpu.memref_slice %arg13[%dma_start3A_233] : memref<16xf32, #tpu.memory_space<vmem>> -> memref<4xf32, #tpu.memory_space<vmem>>
        tpu.enqueue_dma source(%dma_start3A_234 : memref<4xf32, #tpu.memory_space<vmem>>) target(%arg6 : memref<4xf32, #tpu.memory_space<hbm>>) target_semaphore(%run_scoped3A : memref<!tpu.dma_semaphore, #tpu.memory_space<semaphore_mem>>)
        %dma_wait3A_235 = arith.constant 0 : i32
        %dma_wait3A_236 = tpu.memref_slice %arg13[%dma_wait3A_235] : memref<16xf32, #tpu.memory_space<vmem>> -> memref<4xf32, #tpu.memory_space<vmem>>
        %dma_wait3A_237 = arith.constant 0 : i32
        %dma_wait3A_238 = tpu.memref_slice %arg13[%dma_wait3A_237] : memref<16xf32, #tpu.memory_space<vmem>> -> memref<4xf32, #tpu.memory_space<vmem>>
        tpu.wait_dma2 semaphore(%run_scoped3A : memref<!tpu.dma_semaphore, #tpu.memory_space<semaphore_mem>>) src(%dma_wait3A_238 : memref<4xf32, #tpu.memory_space<vmem>>) dst(%arg6 : memref<4xf32, #tpu.memory_space<hbm>>)
        tpu.yield
      }) : () -> ()
    } else {
    }
    return
  }
}

</mosaic_0001>

<sc_bundles>
// kernel: kernel.3.cloned.1.call-start
scs
__scs_entry_jumppad:
0x0: {  	(pc) =	sbr.rel $0x88, $3  }
0x1: {  	(tag) =	ssettag $0x0;
	lr =	simm.s32 $0x1  }
0x2: {  	[smem:$0x3F9D] =	sst lr;
	_ =	strace $0xD0000000  }
0x3: {  	_ = 	snop  }
0x4: {  	_ = 	snop  }
0x5: {  	_ = 	snop  }
0x6: {  	_ = 	snop  }
0x7: {  	_ = 	snop  }
__scs_overlays_trampoline_lowered:
0x8: {  	[smem:$0x3FAC] =	sst s0  }
0x9: {  	[smem:$0x3FAD] =	sst s1  }
0xa: {  	[smem:$0x3FAE] =	sst s2  }
0xb: {  	[smem:$0x3FAF] =	sst s3  }
0xc: {  	[smem:$0x3FB0] =	sst s4  }
0xd: {  	[smem:$0x3FB1] =	sst s5  }
0xe: {  	[smem:$0x3FB2] =	sst s6  }
0xf: {  	[smem:$0x3FB3] =	sst s7  }
0x10: {  	[smem:$0x3FB4] =	sst s8  }
0x11: {  	[smem:$0x3FB5] =	sst s9;
	s0 =	simm.s32 @!p0 $0x0  }
0x12: {  	s1 =	sld [smem:$0x3F9B];
	s0 =	simm.s32 @p0 $0x1  }
0x13: {  	[smem:$0x3FB6] =	sst s0;
	s0 =	simm.s32 @!p1 $0x0  }
0x14: {  	s2 =	sld [smem:$0x3F9A];
	s0 =	simm.s32 @p1 $0x1  }
0x15: {  	[smem:$0x3FB7] =	sst s0;
	s0 =	simm.s32 @!p2 $0x0  }
0x16: {  	s3 =	sld [smem:$0x3FDB];
	s0 =	simm.s32 @p2 $0x1  }
0x17: {  	s4 =	simm.s32 $0x1BF5;
	[smem:$0x3FB9] =	sst s0  }
0x18: {  	s0 =	sld [smem:$0x3F9C];
	_ =	swait.ge [sflag:s4], $0x0  }
0x19: {  	s7 =	sld [smem:$0x3F9D]  }
0x1a: {  	s8 =	sadd.s32 $0xFFFFE003, lr  }
0x1b: {  	s9 =	sadd.s32 $0xFFFFFEF7, lr;
	s5 =	simm.s32 $0xFFFFFFFF;
	p2 =	slt.u32 s8, $0xFFFFF086  }
0x1c: {  	p1 =	slt.u32 s9, $0xF7A;
	s5 =	simm.s32 @!p2 $0x0  }
0x1d: {  	s5 =	simm.s32 @p1 $0x1;
	p0 =	seq.s32 s7, s2  }
0x1e: {  	s7 =	smul.u32 @!p0 $0xF7A, s2;
	p2 =	seq.s32 @!p0 s5, $0x0  }
0x1f: {  	s9 =	smul.u32 $0xF7A, s1;
	s8 =	simm.s32 @!p0 $0x1BF5;
	p2 =	por !p2, p0  }
0x20: {  	[sflag:s8] =	ssyncset.s32 @!p0 $0xFFFFF086;
	s6 =	sadd.s32 @!p0 s3, s7;
	s7 =	simm.s32 @!p0 $0x108  }
0x21: {  	s3 =	sadd.s32 s3, s9;
	s6 =	sadd.s32 @!p0 $0x88, s6;
	s7 =	simm.s32 @p2 $0x1082  }
0x22: {  	[simem:s7], [sflag:s8] =	dma.local @!p0 [hbm:s6], $0xF7A  }
0x23: {  	s9 =	sor.u32 $0xD0000000, s2;
	s6 =	simm.s32 $0x108;
	_ =	swait.ge @!p0 [sflag:s8], $0x0  }
0x24: {  	s3 =	sadd.s32 $0x88, s3;
	s6 =	simm.s32 @!p1 $0x1082;
	[sflag:s4] =	ssyncset.s32 $0xFFFFF086  }
0x25: {  	[simem:s6], [sflag:s4] =	dma.local [hbm:s3], $0xF7A  }
0x26: {  	[smem:$0x3F9D] =	sst s1;
	(tag) =	ssettag s2;
	_ =	strace s9  }
0x27: {  	s1 =	sld [smem:$0x3FAD]  }
0x28: {  	s2 =	sld [smem:$0x3FAE]  }
0x29: {  	s4 =	sld [smem:$0x3FB0]  }
0x2a: {  	p0 =	seq.s32 s5, $0x0;
	s5 =	sld [smem:$0x3FB1]  }
0x2b: {  	s6 =	sld [smem:$0x3FB2]  }
0x2c: {  	s7 =	sld [smem:$0x3FB3]  }
0x2d: {  	s3 =	simm.s32 $0x108;
	s8 =	sld [smem:$0x3FB4]  }
0x2e: {  	s3 =	simm.s32 @!p0 $0x1082;
	s9 =	sld [smem:$0x3FB5]  }
0x2f: {  	lr =	sadd.s32 s0, s3;
	s0 =	sld [smem:$0x3FAC]  }
0x30: {  	s3 =	sld [smem:$0x3FAF]  }
0x31: {  	[smem:$0x3FB8] =	sst s10  }
0x32: {  	s10 =	sld [smem:$0x3FB6];
	_ =	sdelay $0x3  }
0x33: {  	p0 =	seq.s32 s10, $0x1;
	s10 =	sld [smem:$0x3FB8];
	_ =	sdelay $0x3  }
0x34: {  	[smem:$0x3FB8] =	sst s10  }
0x35: {  	s10 =	sld [smem:$0x3FB7];
	_ =	sdelay $0x3  }
0x36: {  	p1 =	seq.s32 s10, $0x1;
	s10 =	sld [smem:$0x3FB8];
	_ =	sdelay $0x3  }
0x37: {  	[smem:$0x3FB8] =	sst s10  }
0x38: {  	s10 =	sld [smem:$0x3FB9]  }
0x39: {  	_ = 	snop;
	(pc) =	sbr.ind lr, $3  }
0x3a: {  	_ = 	snop  }
0x3b: {  	_ = 	snop  }
0x3c: {  	p2 =	seq.s32 s10, $0x1;
	s10 =	sld [smem:$0x3FB8]  }
0x3d: {  	_ =	shalt  }
0x3e: {  	_ =	shalt  }
0x3f: {  	_ =	shalt  }
0x40: {  	_ =	shalt  }
0x41: {  	_ =	shalt  }
0x42: {  	_ =	shalt  }
0x43: {  	_ =	shalt  }
0x44: {  	_ =	shalt  }
0x45: {  	_ =	shalt  }
0x46: {  	_ =	shalt  }
0x47: {  	_ =	shalt  }
0x48: {  	_ =	shalt  }
0x49: {  	_ =	shalt  }
0x4a: {  	_ =	shalt  }
0x4b: {  	_ =	shalt  }
0x4c: {  	_ =	shalt  }
0x4d: {  	_ =	shalt  }
0x4e: {  	_ =	shalt  }
0x4f: {  	_ =	shalt  }
0x50: {  	_ =	shalt  }
0x51: {  	_ =	shalt  }
0x52: {  	_ =	shalt  }
0x53: {  	_ =	shalt  }
0x54: {  	_ =	shalt  }
0x55: {  	_ =	shalt  }
0x56: {  	_ =	shalt  }
0x57: {  	_ =	shalt  }
0x58: {  	_ =	shalt  }
0x59: {  	_ =	shalt  }
0x5a: {  	_ =	shalt  }
0x5b: {  	_ =	shalt  }
0x5c: {  	_ =	shalt  }
0x5d: {  	_ =	shalt  }
0x5e: {  	_ =	shalt  }
0x5f: {  	_ =	shalt  }
0x60: {  	_ =	shalt  }
0x61: {  	_ =	shalt  }
0x62: {  	_ =	shalt  }
0x63: {  	_ =	shalt  }
0x64: {  	_ =	shalt  }
0x65: {  	_ =	shalt  }
0x66: {  	_ =	shalt  }
0x67: {  	_ =	shalt  }
0x68: {  	_ =	shalt  }
0x69: {  	_ =	shalt  }
0x6a: {  	_ =	shalt  }
0x6b: {  	_ =	shalt  }
0x6c: {  	_ =	shalt  }
0x6d: {  	_ =	shalt  }
0x6e: {  	_ =	shalt  }
0x6f: {  	_ =	shalt  }
0x70: {  	_ =	shalt  }
0x71: {  	_ =	shalt  }
0x72: {  	_ =	shalt  }
0x73: {  	_ =	shalt  }
0x74: {  	_ =	shalt  }
0x75: {  	_ =	shalt  }
0x76: {  	_ =	shalt  }
0x77: {  	_ =	shalt  }
0x78: {  	_ =	shalt  }
0x79: {  	_ =	shalt  }
0x7a: {  	_ =	shalt  }
0x7b: {  	_ =	shalt  }
0x7c: {  	_ =	shalt  }
0x7d: {  	_ =	shalt  }
0x7e: {  	_ =	shalt  }
0x7f: {  	_ =	shalt  }
0x80: {  	_ =	shalt  }
0x81: {  	_ =	shalt  }
0x82: {  	_ =	shalt  }
0x83: {  	_ =	shalt  }
0x84: {  	_ =	shalt  }
0x85: {  	_ =	shalt  }
0x86: {  	_ =	shalt  }
0x87: {  	_ =	shalt  }
.Lfunc_end0:
.L_simem_size_0:
called_computation_lowered:
.L_overlay_start_0:
0x88: {  	s0 =	sld [smem:$0x3FD9]  }
0x89: {  	s1 =	sld [smem:$0x3FFE];
	_ =	sdelay $0x3  }
0x8a: {  	s0 =	sadd.s32 s1, s0  }
0x8b: {  	[smem:$0x3FC4] =	sst s0  }
0x8c: {  	_ = 	snop  }
0x8d: {  	s0 =	sld [smem:$0x3FC9]  }
0x8e: {  	s16 =	sld [smem:$0x3FC8]  }
0x8f: {  	s2 =	sld [smem:$0x3FC7]  }
0x90: {  	s3 =	sld [smem:$0x3FD0];
	(tm) =	ssettm $0x1  }
0x91: {  	s4 =	sld [smem:$0x3FFB];
	_ =	sdelay $0x3  }
0x92: {  	_ =	strace s4  }
0x93: {  	s4 =	sld [smem:$0x3FFC];
	_ =	sdelay $0x3  }
0x94: {  	_ =	strace s4  }
0x95: {  	s4 =	sld [smem:$0x3FFD];
	_ =	sdelay $0x3  }
0x96: {  	_ =	strace s4  }
0x97: {  	_ =	strace $0x8FFFFFFF  }
0x98: {  	s17 =	sld [smem:$0x3FDB];
	_ =	sdelay $0x1  }
0x99: {  	s5 =	simm.s32 $_scs_section_size  }
0x9a: {  	s6 =	simm.s32 $_size__tile_overlayer_lowered;
	s7 =	simm.s32 $_tile_overlayer_lowered  }
0x9b: {  	s20 =	simm.s32 $0x1BFF;
	s19 =	sshll.u32 s7, $0x1;
	s4 =	sadd.s32 s5, s17  }
0x9c: {  	s8 =	simm.s32 $0x0;
	s18 =	sshll.u32 s6, $0x1;
	s6 =	sadd.s32 s19, s4  }
0x9d: {  	[timem:s8], [sflag:s20] =	dma.local [hbm:s6], s18  }
0x9e: {  	_ =	swait.ge [sflag:s20], s18  }
0x9f: {  	s5 =	ssub.s32 $0x0, s18;
	[sflag:s20] =	ssyncset.done $0x0  }
0xa0: {  	[sflag:s20] =	ssyncadd.s32 s5;
	_ =	sdelay $0x1  }
0xa1: {  	s21 =	simm.s32 $0x1B8B  }
0xa2: {  	_ =	swait.ge [sflag:s21], $0x1  }
0xa3: {  	[sflag:s21] =	ssyncset.done $0x0  }
0xa4: {  	s23 =	simm.s32 $0x1B8E;
	s22 =	sld [smem:$0x3FFE];
	[sflag:s21] =	ssyncadd.s32 $0xFFFFFFFF  }
0xa5: {  	s24 =	simm.s32 $execute0_lowered;
	[smem:$0x3FD2] =	sst s23  }
0xa6: {  	s6 =	sshll.u32 s24, $0x1;
	_ =	strace $0x80000046;
	[dreg:$0x1] =	wrdreg $0xFFFFFFFF  }
0xa7: {  	s25 =	simm.s32 $_size_execute0_lowered;
	s4 =	sadd.s32 s4, s6;
	[dreg:$0x0] =	wrdreg $0x0  }
0xa8: {  	s6 =	sshll.u32 s25, $0x1;
	[dreg:$0x2] =	wrdreg s4  }
0xa9: {  	[dreg:$0x3] =	wrdreg s6  }
0xaa: {  	[dreg:$0x4] =	wrdreg $0xC0  }
0xab: {  	_ =	task [dreg:s8], $0x5FFFF  }
0xac: {  	[dreg:$0x1] =	wrdreg $0xFFFFFFFF  }
0xad: {  	[dreg:$0x0] =	wrdreg $0x60  }
0xae: {  	[dreg:$0x2] =	wrdreg s0  }
0xaf: {  	[dreg:$0x3] =	wrdreg s16  }
0xb0: {  	[dreg:$0x4] =	wrdreg s2  }
0xb1: {  	[dreg:$0x5] =	wrdreg s22  }
0xb2: {  	[dreg:$0x6] =	wrdreg s3  }
0xb3: {  	[dreg:$0x7] =	wrdreg $0xF000  }
0xb4: {  	[dreg:$0x8] =	wrdreg $0x9  }
0xb5: {  	_ =	task.clear_ibuf [dreg:s8], $0x9FFFF;
	_ =	strace $0x90000046  }
0xb6: {  	s26 =	simm.s32 $0x9;
	_ =	strace $0x80000048  }
0xb7: {  	_ =	swait.ge [sflag:s26], $0x1  }
0xb8: {  	[sflag:s26] =	ssyncadd.s32 $0xFFFFFFFF  }
0xb9: {  	_ =	strace $0x90000048  }
0xba: {  	_ =	sfence  }
0xbb: {  	s28 =	sld [smem:$0x0];
	_ =	sdelay $0x1  }
0xbc: {  	s29 =	srdreg.scid  }
0xbd: {  	s30 =	sshll.u32 s29, $0xD;
	s31 =	sshrl.u32 s29, $0x2  }
0xbe: {  	s1 =	sand.u32 $0x1, s29;
	s2 =	sand.u32 $0x4000, s30;
	s0 =	sadd.s32 s31, s28  }
0xbf: {  	s1 =	sor.u32 s2, s1;
	s0 =	sshll.u32 s0, $0x11  }
0xc0: {  	s0 =	sor.u32 s0, s1  }
0xc1: {  	s0 =	sadd.s32 $0x8F2B, s0  }
0xc2: {  	[sflag:s0] =	ssyncadd.remote.s32 $0x1  }
0xc3: {  	_ =	sfence.sel $0xFFFF  }
0xc4: {  	[dreg:$0x0] =	wrdreg $0xFFFFFFFF;
	(pc) =	sbr.abs _section_cstart, $3  }
0xc5: {  	[dreg:$0x1] =	wrdreg $0xFFFFFFFF  }
0xc6: {  	_ =	task.clear_ibuf [dreg:s8], $0x2FFFF;
	_ =	strace $0x9FFFFFFF  }
0xc7: {  	(tm) =	ssettm $0x7FFFFFFF  }
tec
execute0_lowered:
.L_overlay_start_1:
0x0: {  	(tag) =	ssettag $0x1  }
0x1: {  	s4 =	rddreg [dreg:$0x0]  }
0x2: {  	s3 =	rddreg [dreg:$0x1]  }
0x3: {  	s5 =	rddreg [dreg:$0x2]  }
0x4: {  	s6 =	rddreg [dreg:$0x3]  }
0x5: {  	s1 =	rddreg [dreg:$0x4]  }
0x6: {  	s2 =	rddreg [dreg:$0x5]  }
0x7: {  	s0 =	rddreg [dreg:$0x6];
	s7 =	simm.s32 $0x0;
	s8 =	stileid.u32  }
0x8: {  	[smem:$0x7FF] =	sst s7;
	s9 =	sshll.u32 s8, $0x5  }
0x9: {  	s24 =	sshll.u32 s8, $0x7;
	_ =	strace $0x80000047;
	s5 =	sadd.s32 s5, s9  }
0xa: {  	[tilespmem:s7], [sflag:$0x1] =	stream.linear.gather [hbm4b:s5+s7], $0x100, $0x38;
	[tilespmem:$0xF08] =	vst v63  }
0xb: {  	s25 =	simm.s32 $0x100;
	s3 =	sadd.s32 s3, s9;
	s5 =	sadd.s32 s24, s6  }
0xc: {  	[tilespmem:s25], [sflag:$0x2] =	stream.linear.gather [hbm4b:s3+s7], $0x100, $0x38;
	[tilespmem:$0xF08] =	vst v63  }
0xd: {  	s28 =	simm.s32 $0x200;
	p0 =	sne.s32 s8, $0x0;
	s26 =	sadd.s32 $0x400, s5  }
0xe: {  	v0 =	vimm.f32 @!p0 $0.0e+00;
	[tilespmem:s28], [sflag:$0x2] =	stream.linear.gather [hbm4b:s26+s7], $0x400, $0x38;
	[tilespmem:$0xF08] =	vst v63  }
0xf: {  	s3 =	simm.s32 @!p0 $0xE00;
	[tilespmem:$0xE00] =	vst @!p0 v0  }
0x10: {  	[spmem:s2] =	stream.linear.scatter @!p0 [tilespmem:s3], [sflag:$0x7], $0x80, $0x38;
	[tilespmem:$0xF08] =	vst v63  }
0x11: {  	s3 =	simm.s32 @!p0 $0x7  }
0x12: {  	_ =	swait.ge @!p0 [sflag:s3], $0x80  }
0x13: {  	[sflag:s3] =	ssyncset.done @!p0 $0x0  }
0x14: {  	[sflag:s3] =	ssyncadd.s32 @!p0 $0xFFFFFF80  }
0x15: {  	s29 =	simm.s32 $0x1;
	[bflag:$0x0] =	sbarrier.arrive $0xFFFF  }
0x16: {  	_ =	swait.ge [sflag:s29], $0x100  }
0x17: {  	[sflag:s29] =	ssyncset.done $0x0  }
0x18: {  	[sflag:s29] =	ssyncadd.s32 $0xFFFFFF00  }
0x19: {  	v5 =	vld [tilespmem:$0x0];
	_ =	sdelay $0x1  }
0x1a: {  	v0 =	vlaneseq.u32  }
0x1b: {  	v1 =	vand.u32 $0x3, v0  }
0x1c: {  	v4 =	vshrl.u32 v0, $0x2;
	v6 =	vmul.u32 $0x4000, v1;
	v7 =	vld [tilespmem:$0x10]  }
0x1d: {  	s30 =	sshll.u32 s8, $0x11;
	v3 =	vor.u32 $0x4, v4;
	v33 =	vperm.xlane v5, v4  }
0x1e: {  	v2 =	vor.u32 $0x8, v4;
	v8 =	vor.u32 s30, v6;
	v9 =	vperm.xlane v5, v3  }
0x1f: {  	v1 =	vor.u32 $0xC, v4;
	v11 =	vperm.xlane v5, v2;
	v10 =	vadd.s32 v8, v33  }
0x20: {  	v34 =	vld [tilespmem:$0x20];
	v5 =	vperm.xlane v5, v1;
	v9 =	vadd.s32 v8, v9;
	[tilespmem:$0x600] =	vst v10  }
0x21: {  	v36 =	vperm.xlane v7, v4;
	v35 =	vadd.s32 v8, v11;
	[tilespmem:$0x610] =	vst v9  }
0x22: {  	v37 =	vperm.xlane v7, v3;
	v5 =	vadd.s32 v8, v5;
	[tilespmem:$0x620] =	vst v35  }
0x23: {  	v39 =	vperm.xlane v7, v2;
	v38 =	vadd.s32 v8, v36;
	[tilespmem:$0x630] =	vst v5  }
0x24: {  	v41 =	vld [tilespmem:$0x30];
	v7 =	vperm.xlane v7, v1;
	v40 =	vadd.s32 v8, v37;
	[tilespmem:$0x640] =	vst v38  }
0x25: {  	v43 =	vperm.xlane v34, v4;
	v42 =	vadd.s32 v8, v39;
	[tilespmem:$0x650] =	vst v40  }
0x26: {  	v45 =	vperm.xlane v34, v3;
	v44 =	vadd.s32 v8, v7;
	[tilespmem:$0x660] =	vst v42  }
0x27: {  	v47 =	vperm.xlane v34, v2;
	v46 =	vadd.s32 v8, v43;
	[tilespmem:$0x670] =	vst v44  }
0x28: {  	v49 =	vperm.xlane v34, v1;
	v48 =	vadd.s32 v8, v45;
	[tilespmem:$0x680] =	vst v46  }
0x29: {  	v51 =	vperm.xlane v41, v4;
	v50 =	vadd.s32 v8, v47;
	[tilespmem:$0x690] =	vst v48  }
0x2a: {  	v53 =	vperm.xlane v41, v3;
	v52 =	vadd.s32 v8, v49;
	[tilespmem:$0x6A0] =	vst v50  }
0x2b: {  	v55 =	vperm.xlane v41, v2;
	v54 =	vadd.s32 v8, v51;
	[tilespmem:$0x6B0] =	vst v52  }
0x2c: {  	v57 =	vperm.xlane v41, v1;
	v56 =	vadd.s32 v8, v53;
	[tilespmem:$0x6C0] =	vst v54  }
0x2d: {  	v58 =	vadd.s32 v8, v55;
	[tilespmem:$0x6D0] =	vst v56  }
0x2e: {  	v59 =	vadd.s32 v8, v57;
	[tilespmem:$0x6E0] =	vst v58  }
0x2f: {  	s31 =	simm.s32 $0x80;
	s8 =	simm.s32 $0x600;
	s9 =	simm.s32 $0xA00;
	[tilespmem:$0x6F0] =	vst v59  }
0x30: {  	[tilespmem:s9], [sflag:$0x3] =	stream.indirect.gather [hbm4b:s4+s31], $0x1, s8, s31, $0xb8;
	[tilespmem:$0xF08] =	vst v63  }
0x31: {  	s10 =	simm.s32 $0x680;
	s11 =	simm.s32 $0xA80  }
0x32: {  	[tilespmem:s11], [sflag:$0x3] =	stream.indirect.gather [hbm4b:s4+s31], $0x1, s10, s31, $0xb8;
	[tilespmem:$0xF08] =	vst v63  }
0x33: {  	v60 =	vld [tilespmem:$0x40];
	_ =	sdelay $0x3  }
0x34: {  	v61 =	vld [tilespmem:$0x50]  }
0x35: {  	v62 =	vperm.xlane v60, v4  }
0x36: {  	v63 =	vperm.xlane v60, v3  }
0x37: {  	v12 =	vperm.xlane v60, v2;
	v9 =	vadd.s32 v8, v62  }
0x38: {  	v14 =	vld [tilespmem:$0x60];
	v5 =	vperm.xlane v60, v1;
	v13 =	vadd.s32 v8, v63;
	[tilespmem:$0x700] =	vst v9  }
0x39: {  	v16 =	vperm.xlane v61, v4;
	v15 =	vadd.s32 v8, v12;
	[tilespmem:$0x710] =	vst v13  }
0x3a: {  	v17 =	vperm.xlane v61, v3;
	v5 =	vadd.s32 v8, v5;
	[tilespmem:$0x720] =	vst v15  }
0x3b: {  	v19 =	vperm.xlane v61, v2;
	v18 =	vadd.s32 v8, v16;
	[tilespmem:$0x730] =	vst v5  }
0x3c: {  	v21 =	vld [tilespmem:$0x70];
	v7 =	vperm.xlane v61, v1;
	v20 =	vadd.s32 v8, v17;
	[tilespmem:$0x740] =	vst v18  }
0x3d: {  	v23 =	vperm.xlane v14, v4;
	v22 =	vadd.s32 v8, v19;
	[tilespmem:$0x750] =	vst v20  }
0x3e: {  	v25 =	vperm.xlane v14, v3;
	v24 =	vadd.s32 v8, v7;
	[tilespmem:$0x760] =	vst v22  }
0x3f: {  	v27 =	vperm.xlane v14, v2;
	v26 =	vadd.s32 v8, v23;
	[tilespmem:$0x770] =	vst v24  }
0x40: {  	v29 =	vperm.xlane v14, v1;
	v28 =	vadd.s32 v8, v25;
	[tilespmem:$0x780] =	vst v26  }
0x41: {  	v31 =	vperm.xlane v21, v4;
	v30 =	vadd.s32 v8, v27;
	[tilespmem:$0x790] =	vst v28  }
0x42: {  	v33 =	vperm.xlane v21, v3;
	v32 =	vadd.s32 v8, v29;
	[tilespmem:$0x7A0] =	vst v30  }
0x43: {  	v35 =	vperm.xlane v21, v2;
	v34 =	vadd.s32 v8, v31;
	[tilespmem:$0x7B0] =	vst v32  }
0x44: {  	v37 =	vperm.xlane v21, v1;
	v36 =	vadd.s32 v8, v33;
	[tilespmem:$0x7C0] =	vst v34  }
0x45: {  	v38 =	vadd.s32 v8, v35;
	[tilespmem:$0x7D0] =	vst v36  }
0x46: {  	v39 =	vadd.s32 v8, v37;
	[tilespmem:$0x7E0] =	vst v38  }
0x47: {  	s12 =	simm.s32 $0x700;
	s13 =	simm.s32 $0xB00;
	[tilespmem:$0x7F0] =	vst v39  }
0x48: {  	[tilespmem:s13], [sflag:$0x4] =	stream.indirect.gather [hbm4b:s4+s31], $0x1, s12, s31, $0xb8;
	[tilespmem:$0xF08] =	vst v63  }
0x49: {  	s14 =	simm.s32 $0x780;
	s15 =	simm.s32 $0xB80  }
0x4a: {  	[tilespmem:s15], [sflag:$0x4] =	stream.indirect.gather [hbm4b:s4+s31], $0x1, s14, s31, $0xb8;
	[tilespmem:$0xF08] =	vst v63  }
0x4b: {  	v40 =	vld [tilespmem:$0x80];
	_ =	sdelay $0x3  }
0x4c: {  	v41 =	vld [tilespmem:$0x90]  }
0x4d: {  	s6 =	sor.u32 $0x10000, s30;
	v42 =	vperm.xlane v40, v4  }
0x4e: {  	v6 =	vor.u32 s6, v6;
	v43 =	vperm.xlane v40, v3  }
0x4f: {  	v44 =	vperm.xlane v40, v2;
	v8 =	vadd.s32 v6, v42  }
0x50: {  	v46 =	vld [tilespmem:$0xA0];
	v5 =	vperm.xlane v40, v1;
	v45 =	vadd.s32 v6, v43;
	[tilespmem:$0x800] =	vst v8  }
0x51: {  	v48 =	vperm.xlane v41, v4;
	v47 =	vadd.s32 v6, v44;
	[tilespmem:$0x810] =	vst v45  }
0x52: {  	v49 =	vperm.xlane v41, v3;
	v5 =	vadd.s32 v6, v5;
	[tilespmem:$0x820] =	vst v47  }
0x53: {  	v51 =	vperm.xlane v41, v2;
	v50 =	vadd.s32 v6, v48;
	[tilespmem:$0x830] =	vst v5  }
0x54: {  	v53 =	vld [tilespmem:$0xB0];
	v7 =	vperm.xlane v41, v1;
	v52 =	vadd.s32 v6, v49;
	[tilespmem:$0x840] =	vst v50  }
0x55: {  	v55 =	vperm.xlane v46, v4;
	v54 =	vadd.s32 v6, v51;
	[tilespmem:$0x850] =	vst v52  }
0x56: {  	v57 =	vperm.xlane v46, v3;
	v56 =	vadd.s32 v6, v7;
	[tilespmem:$0x860] =	vst v54  }
0x57: {  	v59 =	vperm.xlane v46, v2;
	v58 =	vadd.s32 v6, v55;
	[tilespmem:$0x870] =	vst v56  }
0x58: {  	v61 =	vperm.xlane v46, v1;
	v60 =	vadd.s32 v6, v57;
	[tilespmem:$0x880] =	vst v58  }
0x59: {  	v63 =	vperm.xlane v53, v4;
	v62 =	vadd.s32 v6, v59;
	[tilespmem:$0x890] =	vst v60  }
0x5a: {  	v12 =	vperm.xlane v53, v3;
	v11 =	vadd.s32 v6, v61;
	[tilespmem:$0x8A0] =	vst v62  }
0x5b: {  	v14 =	vperm.xlane v53, v2;
	v13 =	vadd.s32 v6, v63;
	[tilespmem:$0x8B0] =	vst v11  }
0x5c: {  	v16 =	vperm.xlane v53, v1;
	v15 =	vadd.s32 v6, v12;
	[tilespmem:$0x8C0] =	vst v13  }
0x5d: {  	v17 =	vadd.s32 v6, v14;
	[tilespmem:$0x8D0] =	vst v15  }
0x5e: {  	v18 =	vadd.s32 v6, v16;
	[tilespmem:$0x8E0] =	vst v17  }
0x5f: {  	s16 =	simm.s32 $0x800;
	s17 =	simm.s32 $0xC00;
	[tilespmem:$0x8F0] =	vst v18  }
0x60: {  	[tilespmem:s17], [sflag:$0x5] =	stream.indirect.gather [hbm4b:s4+s31], $0x1, s16, s31, $0xb8;
	[tilespmem:$0xF08] =	vst v63  }
0x61: {  	s18 =	simm.s32 $0x880;
	s19 =	simm.s32 $0xC80  }
0x62: {  	[tilespmem:s19], [sflag:$0x5] =	stream.indirect.gather [hbm4b:s4+s31], $0x1, s18, s31, $0xb8;
	[tilespmem:$0xF08] =	vst v63  }
0x63: {  	v19 =	vld [tilespmem:$0xC0];
	_ =	sdelay $0x3  }
0x64: {  	v20 =	vld [tilespmem:$0xD0]  }
0x65: {  	v21 =	vperm.xlane v19, v4  }
0x66: {  	v22 =	vperm.xlane v19, v3  }
0x67: {  	v23 =	vperm.xlane v19, v2;
	v8 =	vadd.s32 v6, v21  }
0x68: {  	v25 =	vld [tilespmem:$0xE0];
	v5 =	vperm.xlane v19, v1;
	v24 =	vadd.s32 v6, v22;
	[tilespmem:$0x900] =	vst v8  }
0x69: {  	v27 =	vperm.xlane v20, v4;
	v26 =	vadd.s32 v6, v23;
	[tilespmem:$0x910] =	vst v24  }
0x6a: {  	v28 =	vperm.xlane v20, v3;
	v5 =	vadd.s32 v6, v5;
	[tilespmem:$0x920] =	vst v26  }
0x6b: {  	v30 =	vperm.xlane v20, v2;
	v29 =	vadd.s32 v6, v27;
	[tilespmem:$0x930] =	vst v5  }
0x6c: {  	v32 =	vld [tilespmem:$0xF0];
	v7 =	vperm.xlane v20, v1;
	v31 =	vadd.s32 v6, v28;
	[tilespmem:$0x940] =	vst v29  }
0x6d: {  	v34 =	vperm.xlane v25, v4;
	v33 =	vadd.s32 v6, v30;
	[tilespmem:$0x950] =	vst v31  }
0x6e: {  	v36 =	vperm.xlane v25, v3;
	v35 =	vadd.s32 v6, v7;
	[tilespmem:$0x960] =	vst v33  }
0x6f: {  	v38 =	vperm.xlane v25, v2;
	v37 =	vadd.s32 v6, v34;
	[tilespmem:$0x970] =	vst v35  }
0x70: {  	v40 =	vperm.xlane v25, v1;
	v39 =	vadd.s32 v6, v36;
	[tilespmem:$0x980] =	vst v37  }
0x71: {  	v42 =	vperm.xlane v32, v4;
	v41 =	vadd.s32 v6, v38;
	[tilespmem:$0x990] =	vst v39  }
0x72: {  	v44 =	vperm.xlane v32, v3;
	v43 =	vadd.s32 v6, v40;
	[tilespmem:$0x9A0] =	vst v41  }
0x73: {  	v46 =	vperm.xlane v32, v2;
	v45 =	vadd.s32 v6, v42;
	[tilespmem:$0x9B0] =	vst v43  }
0x74: {  	v48 =	vperm.xlane v32, v1;
	v47 =	vadd.s32 v6, v44;
	[tilespmem:$0x9C0] =	vst v45  }
0x75: {  	v49 =	vadd.s32 v6, v46;
	[tilespmem:$0x9D0] =	vst v47  }
0x76: {  	v50 =	vadd.s32 v6, v48;
	[tilespmem:$0x9E0] =	vst v49  }
0x77: {  	s20 =	simm.s32 $0x900;
	s21 =	simm.s32 $0xD00;
	[tilespmem:$0x9F0] =	vst v50  }
0x78: {  	[tilespmem:s21], [sflag:$0x6] =	stream.indirect.gather [hbm4b:s4+s31], $0x1, s20, s31, $0xb8;
	[tilespmem:$0xF08] =	vst v63  }
0x79: {  	s22 =	simm.s32 $0x980;
	s23 =	simm.s32 $0xD80;
	s24 =	simm.s32 $0x2  }
0x7a: {  	[tilespmem:s23], [sflag:$0x6] =	stream.indirect.gather [hbm4b:s4+s31], $0x1, s22, s31, $0xb8;
	[tilespmem:$0xF08] =	vst v63  }
0x7b: {  	_ =	swait.ge [sflag:s24], $0x100  }
0x7c: {  	[sflag:s24] =	ssyncset.done $0x0  }
0x7d: {  	[sflag:s24] =	ssyncadd.s32 $0xFFFFFF00  }
0x7e: {  	_ =	swait.ge [sflag:s24], $0x400  }
0x7f: {  	[sflag:s24] =	ssyncset.done $0x0  }
0x80: {  	s25 =	simm.s32 $0x3;
	[sflag:s24] =	ssyncadd.s32 $0xFFFFFC00  }
0x81: {  	_ =	swait.ge [sflag:s25], $0x100  }
0x82: {  	[sflag:s25] =	ssyncset.done $0x0  }
0x83: {  	[sflag:s25] =	ssyncadd.s32 $0xFFFFFF00  }
0x84: {  	v51 =	vld [tilespmem:$0x100]  }
0x85: {  	v52 =	vld [tilespmem:$0xA00]  }
0x86: {  	v53 =	vld [tilespmem:$0x200]  }
0x87: {  	v54 =	vld [tilespmem:$0xA10]  }
0x88: {  	v55 =	vld [tilespmem:$0x210]  }
0x89: {  	v56 =	vld [tilespmem:$0xA20]  }
0x8a: {  	v57 =	vld [tilespmem:$0x220]  }
0x8b: {  	v12 =	vld [tilespmem:$0xA30]  }
0x8c: {  	v13 =	vld [tilespmem:$0x230]  }
0x8d: {  	v14 =	vld [tilespmem:$0x110]  }
0x8e: {  	v15 =	vld [tilespmem:$0xA40]  }
0x8f: {  	v16 =	vld [tilespmem:$0x240]  }
0x90: {  	v17 =	vld [tilespmem:$0xA50]  }
0x91: {  	v18 =	vld [tilespmem:$0x250]  }
0x92: {  	v19 =	vld [tilespmem:$0xA60]  }
0x93: {  	v20 =	vld [tilespmem:$0x260]  }
0x94: {  	v21 =	vld [tilespmem:$0xA70]  }
0x95: {  	v22 =	vld [tilespmem:$0x270]  }
0x96: {  	v23 =	vld [tilespmem:$0x120]  }
0x97: {  	v24 =	vld [tilespmem:$0xA80]  }
0x98: {  	v25 =	vld [tilespmem:$0x280]  }
0x99: {  	v26 =	vld [tilespmem:$0xA90]  }
0x9a: {  	v27 =	vld [tilespmem:$0x290]  }
0x9b: {  	v28 =	vld [tilespmem:$0xAA0];
	v5 =	vcvt.s32.f32 v51  }
0x9c: {  	v29 =	vld [tilespmem:$0x2A0];
	v6 =	vsub.f32 v52, v53  }
0x9d: {  	v30 =	vld [tilespmem:$0xAB0];
	v58 =	vperm.xlane v5, v4  }
0x9e: {  	v59 =	vld [tilespmem:$0x2B0];
	v8 =	vsub.f32 v54, v55;
	v6 =	vand.u32 $0x7FFFFFFF, v6  }
0x9f: {  	v11 =	vld [tilespmem:$0x130];
	v60 =	vperm.xlane v5, v3;
	v6 =	vmul.f32 v6, v58  }
0xa0: {  	v32 =	vld [tilespmem:$0xAC0];
	v8 =	vand.u32 $0x7FFFFFFF, v8  }
0xa1: {  	v62 =	vld [tilespmem:$0x2C0];
	v7 =	vmul.f32 v8, v60;
	v6 =	vadd.f32 $0.0e+00, v6  }
0xa2: {  	v36 =	vld [tilespmem:$0x2D0]  }
0xa3: {  	v39 =	vld [tilespmem:$0x2E0];
	v7 =	vadd.f32 v7, v6;
	v6 =	vcvt.s32.f32 v14  }
0xa4: {  	v12 =	vsub.f32 v12, v13;
	v13 =	vld [tilespmem:$0xAD0];
	v15 =	vsub.f32 v15, v16  }
0xa5: {  	v16 =	vld [tilespmem:$0xAE0];
	v38 =	vperm.xlane v6, v4  }
0xa6: {  	s26 =	simm.s32 $0x4;
	v17 =	vsub.f32 v17, v18;
	v18 =	vld [tilespmem:$0xAF0];
	v15 =	vand.u32 $0x7FFFFFFF, v15  }
0xa7: {  	v40 =	vmul.f32 v15, v38;
	v15 =	vld [tilespmem:$0x2F0];
	_ =	swait.ge [sflag:s26], $0x100  }
0xa8: {  	[sflag:s26] =	ssyncset.done $0x0  }
0xa9: {  	v10 =	vsub.f32 v56, v57;
	[sflag:s26] =	ssyncadd.s32 $0xFFFFFF00  }
0xaa: {  	v31 =	vperm.xlane v5, v2;
	v47 =	vld [tilespmem:$0x140]  }
0xab: {  	v61 =	vand.u32 $0x7FFFFFFF, v10;
	v35 =	vperm.xlane v5, v1;
	v48 =	vld [tilespmem:$0xB00]  }
0xac: {  	v12 =	vand.u32 $0x7FFFFFFF, v12;
	v8 =	vmul.f32 v61, v31;
	v33 =	vld [tilespmem:$0x300]  }
0xad: {  	v37 =	vmul.f32 v12, v35;
	v35 =	vld [tilespmem:$0xB10]  }
0xae: {  	v7 =	vadd.f32 v8, v7;
	v51 =	vld [tilespmem:$0x310]  }
0xaf: {  	v54 =	vld [tilespmem:$0xB20]  }
0xb0: {  	v19 =	vsub.f32 v19, v20;
	v41 =	vperm.xlane v6, v3;
	v7 =	vadd.f32 v37, v7;
	v56 =	vld [tilespmem:$0x320]  }
0xb1: {  	v45 =	vsub.f32 v21, v22;
	v9 =	vsub.f32 v30, v59;
	v17 =	vand.u32 $0x7FFFFFFF, v17;
	v22 =	vld [tilespmem:$0xB30]  }
0xb2: {  	v43 =	vperm.xlane v6, v2;
	v42 =	vmul.f32 v17, v41;
	v7 =	vadd.f32 v40, v7;
	v59 =	vld [tilespmem:$0x330]  }
0xb3: {  	v53 =	vsub.f32 v28, v29;
	v44 =	vand.u32 $0x7FFFFFFF, v19;
	v46 =	vperm.xlane v6, v1;
	v61 =	vld [tilespmem:$0x150]  }
0xb4: {  	v12 =	vmul.f32 v44, v43;
	v29 =	vld [tilespmem:$0xB40];
	v8 =	vadd.f32 v42, v7;
	v7 =	vcvt.s32.f32 v23  }
0xb5: {  	v25 =	vsub.f32 v24, v25;
	v19 =	vand.u32 $0x7FFFFFFF, v45;
	v14 =	vld [tilespmem:$0xB50]  }
0xb6: {  	v63 =	vmul.f32 v19, v46;
	v37 =	vld [tilespmem:$0x350];
	v8 =	vadd.f32 v12, v8;
	v34 =	vperm.xlane v7, v4  }
0xb7: {  	v50 =	vsub.f32 v26, v27;
	v49 =	vand.u32 $0x7FFFFFFF, v25;
	v38 =	vld [tilespmem:$0xB60]  }
0xb8: {  	v41 =	vld [tilespmem:$0x360];
	v52 =	vperm.xlane v7, v3;
	v8 =	vadd.f32 v63, v8;
	v12 =	vmul.f32 v49, v34  }
0xb9: {  	v17 =	vand.u32 $0x7FFFFFFF, v50;
	v43 =	vld [tilespmem:$0x370]  }
0xba: {  	v20 =	vld [tilespmem:$0x160];
	v55 =	vperm.xlane v7, v2;
	v57 =	vmul.f32 v17, v52;
	v8 =	vadd.f32 v12, v8  }
0xbb: {  	v58 =	vand.u32 $0x7FFFFFFF, v53;
	v50 =	vld [tilespmem:$0xB90];
	v60 =	vperm.xlane v7, v1  }
0xbc: {  	v53 =	vld [tilespmem:$0x390];
	v17 =	vmul.f32 v58, v55;
	v12 =	vadd.f32 v57, v8;
	v8 =	vcvt.s32.f32 v11  }
0xbd: {  	v9 =	vand.u32 $0x7FFFFFFF, v9;
	v10 =	vsub.f32 v32, v62;
	v24 =	vld [tilespmem:$0xBB0];
	v15 =	vsub.f32 v18, v15  }
0xbe: {  	v18 =	vld [tilespmem:$0xB70];
	v9 =	vmul.f32 v9, v60;
	v12 =	vadd.f32 v17, v12;
	v62 =	vperm.xlane v8, v4  }
0xbf: {  	v10 =	vand.u32 $0x7FFFFFFF, v10;
	v13 =	vsub.f32 v13, v36;
	v63 =	vld [tilespmem:$0x340]  }
0xc0: {  	v55 =	vld [tilespmem:$0xBA0];
	v36 =	vperm.xlane v8, v3;
	v9 =	vadd.f32 v9, v12;
	v10 =	vmul.f32 v10, v62  }
0xc1: {  	v16 =	vsub.f32 v16, v39;
	v13 =	vand.u32 $0x7FFFFFFF, v13;
	v58 =	vld [tilespmem:$0x3A0]  }
0xc2: {  	v60 =	vld [tilespmem:$0x3B0];
	v40 =	vperm.xlane v8, v2;
	v39 =	vmul.f32 v13, v36;
	v9 =	vadd.f32 v10, v9  }
0xc3: {  	v16 =	vand.u32 $0x7FFFFFFF, v16;
	v45 =	vsub.f32 v48, v33;
	v33 =	vld [tilespmem:$0xBC0];
	v42 =	vperm.xlane v8, v1  }
0xc4: {  	v34 =	vld [tilespmem:$0x3C0];
	v12 =	vmul.f32 v16, v40;
	v10 =	vadd.f32 v39, v9;
	v9 =	vcvt.s32.f32 v47  }
0xc5: {  	v15 =	vand.u32 $0x7FFFFFFF, v15;
	v14 =	vsub.f32 v14, v37;
	v37 =	vld [tilespmem:$0xBD0];
	v48 =	vand.u32 $0x7FFFFFFF, v45  }
0xc6: {  	v45 =	vld [tilespmem:$0x3F0];
	v44 =	vmul.f32 v15, v42;
	v10 =	vadd.f32 v12, v10;
	v46 =	vperm.xlane v9, v4  }
0xc7: {  	v49 =	vsub.f32 v35, v51;
	v16 =	vld [tilespmem:$0xB80];
	v62 =	vsub.f32 v29, v63  }
0xc8: {  	v63 =	vld [tilespmem:$0x170];
	v51 =	vperm.xlane v9, v3;
	v10 =	vadd.f32 v44, v10;
	v12 =	vmul.f32 v48, v46  }
0xc9: {  	v52 =	vsub.f32 v54, v56;
	v15 =	vand.u32 $0x7FFFFFFF, v49;
	v13 =	vsub.f32 v38, v41;
	v38 =	vld [tilespmem:$0x3D0]  }
0xca: {  	v41 =	vld [tilespmem:$0xBE0];
	v54 =	vperm.xlane v9, v2;
	v56 =	vmul.f32 v15, v51;
	v10 =	vadd.f32 v12, v10  }
0xcb: {  	v22 =	vsub.f32 v22, v59;
	v57 =	vand.u32 $0x7FFFFFFF, v52;
	v42 =	vld [tilespmem:$0x3E0];
	v59 =	vperm.xlane v9, v1  }
0xcc: {  	s28 =	simm.s32 $0x5;
	v47 =	vld [tilespmem:$0x380];
	v15 =	vmul.f32 v57, v54;
	v12 =	vadd.f32 v56, v10;
	v10 =	vcvt.s32.f32 v61  }
0xcd: {  	v44 =	vld [tilespmem:$0xBF0];
	_ =	swait.ge [sflag:s28], $0x100;
	v61 =	vand.u32 $0x7FFFFFFF, v22  }
0xce: {  	[sflag:s28] =	ssyncset.done $0x0;
	v11 =	vmul.f32 v61, v59;
	v12 =	vadd.f32 v15, v12;
	v29 =	vperm.xlane v10, v4  }
0xcf: {  	v50 =	vsub.f32 v50, v53;
	v18 =	vsub.f32 v18, v43;
	[sflag:s28] =	ssyncadd.s32 $0xFFFFFF00;
	v22 =	vand.u32 $0x7FFFFFFF, v62  }
0xd0: {  	v53 =	vld [tilespmem:$0x180];
	v36 =	vperm.xlane v10, v3;
	v11 =	vadd.f32 v11, v12;
	v35 =	vmul.f32 v22, v29  }
0xd1: {  	v14 =	vand.u32 $0x7FFFFFFF, v14;
	v52 =	vsub.f32 v55, v58;
	v17 =	vsub.f32 v33, v34;
	v55 =	vld [tilespmem:$0xC00]  }
0xd2: {  	v58 =	vld [tilespmem:$0x400];
	v40 =	vperm.xlane v10, v2;
	v39 =	vmul.f32 v14, v36;
	v11 =	vadd.f32 v35, v11  }
0xd3: {  	v13 =	vand.u32 $0x7FFFFFFF, v13;
	v47 =	vsub.f32 v16, v47;
	v34 =	vld [tilespmem:$0x420];
	v43 =	vperm.xlane v10, v1  }
0xd4: {  	v62 =	vld [tilespmem:$0x410];
	v13 =	vmul.f32 v13, v40;
	v12 =	vadd.f32 v39, v11;
	v11 =	vcvt.s32.f32 v20  }
0xd5: {  	v18 =	vand.u32 $0x7FFFFFFF, v18;
	v59 =	vsub.f32 v24, v60;
	v60 =	vld [tilespmem:$0xC10];
	v15 =	vsub.f32 v41, v42  }
0xd6: {  	v42 =	vld [tilespmem:$0xC40];
	v46 =	vmul.f32 v18, v43;
	v12 =	vadd.f32 v13, v12;
	v48 =	vperm.xlane v11, v4  }
0xd7: {  	v49 =	vand.u32 $0x7FFFFFFF, v47;
	v22 =	vsub.f32 v37, v38;
	v38 =	vld [tilespmem:$0x430]  }
0xd8: {  	v43 =	vld [tilespmem:$0x440];
	v51 =	vperm.xlane v11, v3;
	v12 =	vadd.f32 v46, v12;
	v13 =	vmul.f32 v49, v48  }
0xd9: {  	v14 =	vand.u32 $0x7FFFFFFF, v50;
	v16 =	vsub.f32 v55, v58;
	v50 =	vld [tilespmem:$0x460]  }
0xda: {  	v55 =	vld [tilespmem:$0x470];
	v54 =	vperm.xlane v11, v2;
	v56 =	vmul.f32 v14, v51;
	v12 =	vadd.f32 v13, v12  }
0xdb: {  	v57 =	vand.u32 $0x7FFFFFFF, v52;
	v35 =	vld [tilespmem:$0xC30];
	v52 =	vsub.f32 v60, v62;
	v61 =	vperm.xlane v11, v1  }
0xdc: {  	v60 =	vld [tilespmem:$0xC80];
	v14 =	vmul.f32 v57, v54;
	v13 =	vadd.f32 v56, v12;
	v12 =	vcvt.s32.f32 v63  }
0xdd: {  	v18 =	vand.u32 $0x7FFFFFFF, v59;
	v20 =	vsub.f32 v44, v45;
	v45 =	vld [tilespmem:$0xC50]  }
0xde: {  	v32 =	vmul.f32 v18, v61;
	v46 =	vld [tilespmem:$0x450];
	v13 =	vadd.f32 v14, v13;
	v33 =	vperm.xlane v12, v4  }
0xdf: {  	v17 =	vand.u32 $0x7FFFFFFF, v17;
	v39 =	vld [tilespmem:$0x190]  }
0xe0: {  	v48 =	vld [tilespmem:$0xC60];
	v37 =	vperm.xlane v12, v3;
	v13 =	vadd.f32 v32, v13;
	v36 =	vmul.f32 v17, v33  }
0xe1: {  	v5 =	vadd.f32 v6, v5;
	v22 =	vand.u32 $0x7FFFFFFF, v22;
	v57 =	vld [tilespmem:$0x1A0]  }
0xe2: {  	v61 =	vld [tilespmem:$0x480];
	v41 =	vperm.xlane v12, v2;
	v40 =	vmul.f32 v22, v37;
	v13 =	vadd.f32 v36, v13  }
0xe3: {  	v15 =	vand.u32 $0x7FFFFFFF, v15;
	v63 =	vld [tilespmem:$0xC20];
	v19 =	vsub.f32 v45, v46;
	v44 =	vperm.xlane v12, v1  }
0xe4: {  	v45 =	vld [tilespmem:$0xCC0];
	v15 =	vmul.f32 v15, v41;
	v14 =	vadd.f32 v40, v13;
	v13 =	vcvt.s32.f32 v53  }
0xe5: {  	v5 =	vadd.f32 v7, v5;
	v20 =	vand.u32 $0x7FFFFFFF, v20;
	v33 =	vld [tilespmem:$0x490]  }
0xe6: {  	v47 =	vmul.f32 v20, v44;
	v37 =	vld [tilespmem:$0x4A0];
	v14 =	vadd.f32 v15, v14;
	v49 =	vperm.xlane v13, v4  }
0xe7: {  	v5 =	vadd.f32 v8, v5;
	v51 =	vand.u32 $0x7FFFFFFF, v16;
	v17 =	vsub.f32 v48, v50;
	v41 =	vld [tilespmem:$0x4B0]  }
0xe8: {  	v44 =	vld [tilespmem:$0x1B0];
	v54 =	vperm.xlane v13, v3;
	v14 =	vadd.f32 v47, v14;
	v15 =	vmul.f32 v51, v49  }
0xe9: {  	v16 =	vand.u32 $0x7FFFFFFF, v52;
	v48 =	vld [tilespmem:$0xCD0];
	v50 =	vsub.f32 v60, v61;
	v24 =	vsub.f32 v63, v34  }
0xea: {  	v60 =	vld [tilespmem:$0x4F0];
	v56 =	vperm.xlane v13, v2;
	v58 =	vmul.f32 v16, v54;
	v14 =	vadd.f32 v15, v14  }
0xeb: {  	v18 =	vsub.f32 v35, v38;
	v63 =	vld [tilespmem:$0xC90];
	v59 =	vand.u32 $0x7FFFFFFF, v24;
	v62 =	vperm.xlane v13, v1  }
0xec: {  	v53 =	vld [tilespmem:$0xC70];
	v16 =	vmul.f32 v59, v56;
	v15 =	vadd.f32 v58, v14;
	v14 =	vcvt.s32.f32 v39  }
0xed: {  	v5 =	vadd.f32 v9, v5;
	v18 =	vand.u32 $0x7FFFFFFF, v18;
	v22 =	vsub.f32 v42, v43;
	v36 =	vld [tilespmem:$0xCA0]  }
0xee: {  	v40 =	vld [tilespmem:$0xCB0];
	v34 =	vmul.f32 v18, v62;
	v15 =	vadd.f32 v16, v15;
	v35 =	vperm.xlane v14, v4  }
0xef: {  	v5 =	vadd.f32 v10, v5;
	v22 =	vand.u32 $0x7FFFFFFF, v22;
	v47 =	vld [tilespmem:$0x4C0]  }
0xf0: {  	v51 =	vld [tilespmem:$0x4D0];
	v39 =	vperm.xlane v14, v3;
	v15 =	vadd.f32 v34, v15;
	v38 =	vmul.f32 v22, v35  }
0xf1: {  	v5 =	vadd.f32 v11, v5;
	v19 =	vand.u32 $0x7FFFFFFF, v19;
	v56 =	vld [tilespmem:$0x4E0];
	v21 =	vsub.f32 v53, v55  }
0xf2: {  	s29 =	simm.s32 $0x6;
	v53 =	vld [tilespmem:$0xCE0];
	v43 =	vperm.xlane v14, v2;
	v42 =	vmul.f32 v19, v39;
	v15 =	vadd.f32 v38, v15  }
0xf3: {  	v5 =	vadd.f32 v12, v5;
	v17 =	vand.u32 $0x7FFFFFFF, v17;
	v58 =	vld [tilespmem:$0xCF0];
	_ =	swait.ge [sflag:s29], $0x100;
	v46 =	vperm.xlane v14, v1  }
0xf4: {  	[sflag:s29] =	ssyncset.done $0x0;
	v17 =	vmul.f32 v17, v43;
	v16 =	vadd.f32 v42, v15;
	v15 =	vcvt.s32.f32 v57  }
0xf5: {  	v26 =	vsub.f32 v36, v37;
	v55 =	vsub.f32 v63, v33;
	v21 =	vand.u32 $0x7FFFFFFF, v21;
	[sflag:s29] =	ssyncadd.s32 $0xFFFFFF00  }
0xf6: {  	v33 =	vld [tilespmem:$0x1C0];
	v49 =	vmul.f32 v21, v46;
	v16 =	vadd.f32 v17, v16;
	v52 =	vperm.xlane v15, v4  }
0xf7: {  	v5 =	vadd.f32 v13, v5;
	v54 =	vand.u32 $0x7FFFFFFF, v50;
	v62 =	vand.u32 $0x7FFFFFFF, v26;
	v36 =	vld [tilespmem:$0xD00]  }
0xf8: {  	v37 =	vld [tilespmem:$0x500];
	v57 =	vperm.xlane v15, v3;
	v16 =	vadd.f32 v49, v16;
	v17 =	vmul.f32 v54, v52  }
0xf9: {  	v63 =	vsub.f32 v40, v41;
	v18 =	vand.u32 $0x7FFFFFFF, v55;
	v30 =	vsub.f32 v45, v47;
	v40 =	vld [tilespmem:$0xD10]  }
0xfa: {  	v41 =	vld [tilespmem:$0x510];
	v59 =	vperm.xlane v15, v2;
	v61 =	vmul.f32 v18, v57;
	v16 =	vadd.f32 v17, v16  }
0xfb: {  	v20 =	vsub.f32 v48, v51;
	v24 =	vsub.f32 v53, v56;
	v50 =	vld [tilespmem:$0x530];
	v26 =	vperm.xlane v15, v1  }
0xfc: {  	v53 =	vld [tilespmem:$0x1D0];
	v18 =	vmul.f32 v62, v59;
	v17 =	vadd.f32 v61, v16;
	v16 =	vcvt.s32.f32 v44  }
0xfd: {  	v29 =	vand.u32 $0x7FFFFFFF, v63;
	v5 =	vadd.f32 v14, v5;
	v63 =	vld [tilespmem:$0x550];
	v45 =	vsub.f32 v58, v60  }
0xfe: {  	v60 =	vld [tilespmem:$0xD50];
	v34 =	vmul.f32 v29, v26;
	v17 =	vadd.f32 v18, v17;
	v35 =	vperm.xlane v16, v4  }
0xff: {  	v20 =	vand.u32 $0x7FFFFFFF, v20;
	v55 =	vld [tilespmem:$0xD40];
	v21 =	vand.u32 $0x7FFFFFFF, v30;
	v24 =	vand.u32 $0x7FFFFFFF, v24  }
0x100: {  	v32 =	vld [tilespmem:$0xD60];
	v39 =	vperm.xlane v16, v3;
	v17 =	vadd.f32 v34, v17;
	v38 =	vmul.f32 v21, v35  }
0x101: {  	v46 =	vld [tilespmem:$0x520];
	v27 =	vand.u32 $0x7FFFFFFF, v45;
	v23 =	vcvt.s32.f32 v33;
	v52 =	vsub.f32 v36, v37  }
0x102: {  	v37 =	vld [tilespmem:$0xD70];
	v43 =	vperm.xlane v16, v2;
	v42 =	vmul.f32 v20, v39;
	v17 =	vadd.f32 v38, v17  }
0x103: {  	v22 =	vcvt.s32.f32 v53;
	v45 =	vsub.f32 v60, v63;
	v57 =	vsub.f32 v40, v41;
	v40 =	vld [tilespmem:$0x570]  }
0x104: {  	v44 =	vld [tilespmem:$0xD20];
	v48 =	vperm.xlane v16, v1;
	v47 =	vmul.f32 v24, v43;
	v17 =	vadd.f32 v42, v17  }
0x105: {  	v58 =	vld [tilespmem:$0x540];
	v60 =	vperm.xlane v22, v1;
	v5 =	vadd.f32 v15, v5;
	v54 =	vperm.xlane v23, v4  }
0x106: {  	v49 =	vld [tilespmem:$0xD30];
	v59 =	vperm.xlane v23, v3;
	v51 =	vmul.f32 v27, v48;
	v17 =	vadd.f32 v47, v17  }
0x107: {  	v63 =	vld [tilespmem:$0xDB0];
	v62 =	vperm.xlane v23, v2;
	v36 =	vperm.xlane v23, v1;
	v56 =	vand.u32 $0x7FFFFFFF, v52  }
0x108: {  	v52 =	vld [tilespmem:$0xD90];
	v61 =	vand.u32 $0x7FFFFFFF, v57;
	v18 =	vmul.f32 v56, v54;
	v17 =	vadd.f32 v51, v17  }
0x109: {  	v6 =	vmul.f32 v61, v59;
	v57 =	vsub.f32 v37, v40;
	v61 =	vld [tilespmem:$0x5A0];
	v20 =	vsub.f32 v44, v46  }
0x10a: {  	v54 =	vperm.xlane v22, v2;
	v5 =	vadd.f32 v16, v5;
	v35 =	vld [tilespmem:$0x560];
	v17 =	vadd.f32 v18, v17  }
0x10b: {  	v34 =	vsub.f32 v49, v50;
	v39 =	vsub.f32 v55, v58;
	v43 =	vld [tilespmem:$0x1E0];
	v31 =	vand.u32 $0x7FFFFFFF, v20  }
0x10c: {  	v48 =	vperm.xlane v22, v3;
	v55 =	vld [tilespmem:$0x590];
	v33 =	vmul.f32 v31, v62;
	v6 =	vadd.f32 v6, v17  }
0x10d: {  	v50 =	vand.u32 $0x7FFFFFFF, v45;
	v58 =	vld [tilespmem:$0xDA0];
	v5 =	vadd.f32 v23, v5;
	v38 =	vand.u32 $0x7FFFFFFF, v34  }
0x10e: {  	v27 =	vld [tilespmem:$0x5B0];
	v41 =	vmul.f32 v38, v36;
	v42 =	vperm.xlane v22, v4;
	v6 =	vadd.f32 v33, v6  }
0x10f: {  	v49 =	vld [tilespmem:$0x580];
	v44 =	vand.u32 $0x7FFFFFFF, v39;
	v53 =	vmul.f32 v50, v48;
	v5 =	vadd.f32 v22, v5  }
0x110: {  	v46 =	vld [tilespmem:$0xD80];
	v48 =	vimm.s32 $0xEFCDAB89;
	v47 =	vmul.f32 v44, v42;
	v6 =	vadd.f32 v41, v6  }
0x111: {  	v39 =	vld [tilespmem:$0x5D0];
	v62 =	vand.u32 $0x7FFFFFFF, v57;
	v57 =	vimm.s32 $0x32107654;
	v51 =	vsub.f32 v32, v35  }
0x112: {  	v36 =	vld [tilespmem:$0xDD0];
	v24 =	vmul.f32 v62, v60;
	v31 =	vsub.f32 v52, v55;
	v6 =	vadd.f32 v47, v6  }
0x113: {  	v11 =	vsub.f32 v58, v61;
	v9 =	vsub.f32 v63, v27;
	v56 =	vand.u32 $0x7FFFFFFF, v51  }
0x114: {  	v29 =	vld [tilespmem:$0x1F0];
	v59 =	vmul.f32 v56, v54;
	v17 =	vcvt.s32.f32 v43;
	v6 =	vadd.f32 v53, v6  }
0x115: {  	v34 =	vld [tilespmem:$0x5C0];
	v55 =	vimm.s32 $0xDCFE98BA;
	v58 =	vunpack.c.l.s4.s8 v57;
	v26 =	vsub.f32 v46, v49  }
0x116: {  	v49 =	vimm.s32 $0x67452301;
	v32 =	vld [tilespmem:$0xDC0];
	v28 =	vperm.xlane v17, v4;
	v6 =	vadd.f32 v59, v6  }
0x117: {  	v8 =	vand.u32 $0x7FFFFFFF, v31;
	v30 =	vand.u32 $0x7FFFFFFF, v26;
	v44 =	vsub.f32 v36, v39  }
0x118: {  	v33 =	vperm.xlane v17, v3;
	v7 =	vmul.f32 v30, v28;
	v6 =	vadd.f32 v24, v6  }
0x119: {  	v42 =	vld [tilespmem:$0xDE0];
	v38 =	vand.u32 $0x7FFFFFFF, v11;
	v9 =	vand.u32 $0x7FFFFFFF, v9;
	v46 =	vand.u32 $0x7FFFFFFF, v44  }
0x11a: {  	v43 =	vld [tilespmem:$0x5E0];
	v35 =	vperm.xlane v17, v2;
	v37 =	vmul.f32 v8, v33;
	v6 =	vadd.f32 v7, v6  }
0x11b: {  	v54 =	vimm.s32 $0xBA98FEDC;
	v10 =	vsub.f32 v32, v34;
	v41 =	vcvt.s32.f32 v29  }
0x11c: {  	v40 =	vperm.xlane v17, v1;
	v8 =	vmul.f32 v38, v35;
	v6 =	vadd.f32 v37, v6  }
0x11d: {  	v56 =	vimm.s32 $0x54761032;
	v5 =	vadd.f32 v17, v5;
	v4 =	vperm.xlane v41, v4  }
0x11e: {  	v45 =	vand.u32 $0x7FFFFFFF, v10;
	v7 =	vmul.f32 v9, v40;
	v6 =	vadd.f32 v8, v6  }
0x11f: {  	v50 =	vld [tilespmem:$0xDF0];
	v3 =	vperm.xlane v41, v3;
	v47 =	vsub.f32 v42, v43;
	v4 =	vmul.f32 v45, v4  }
0x120: {  	v51 =	vld [tilespmem:$0x5F0];
	v8 =	vunpack.c.l.s4.s8 v49;
	v6 =	vadd.f32 v7, v6;
	v7 =	vunpack.c.l.s4.s8 v48  }
0x121: {  	v2 =	vperm.xlane v41, v2;
	v5 =	vadd.f32 v41, v5;
	v3 =	vmul.f32 v46, v3  }
0x122: {  	v53 =	vunpack.c.0.s8.s32 v8;
	v4 =	vadd.f32 v4, v6;
	v52 =	vunpack.c.0.s8.s32 v7  }
0x123: {  	v8 =	vunpack.c.l.s4.s8 v56;
	v6 =	vand.u32 $0x7FFFFFFF, v47;
	v7 =	vunpack.c.l.s4.s8 v55  }
0x124: {  	v2 =	vmul.f32 v6, v2;
	v3 =	vadd.f32 v3, v4;
	v6 =	vcombine.low v53, v52  }
0x125: {  	v8 =	vunpack.c.0.s8.s32 v8;
	v4 =	vsub.f32 v50, v51;
	v7 =	vunpack.c.0.s8.s32 v7  }
0x126: {  	v2 =	vadd.f32 v2, v3;
	v3 =	vunpack.c.l.s4.s8 v54;
	v6 =	vperm.xlane v5, v6  }
0x127: {  	v1 =	vperm.xlane v41, v1;
	v9 =	vunpack.c.0.s8.s32 v58;
	v4 =	vand.u32 $0x7FFFFFFF, v4  }
0x128: {  	v59 =	vcombine.low v8, v7;
	v3 =	vunpack.c.0.s8.s32 v3;
	v5 =	vadd.f32 v6, v5  }
0x129: {  	v60 =	vimm.s32 $0xFEDCBA98;
	v61 =	vimm.s32 $0x76543210;
	v1 =	vmul.f32 v4, v1  }
0x12a: {  	v4 =	vunpack.c.l.s4.s8 v60;
	v3 =	vcombine.low v9, v3;
	v6 =	vperm.xlane v5, v59  }
0x12b: {  	v62 =	vunpack.c.l.s4.s8 v61;
	v1 =	vadd.f32 v1, v2  }
0x12c: {  	v4 =	vunpack.c.0.s8.s32 v4;
	v3 =	vand.u32 $0xF, v3;
	v5 =	vadd.f32 v6, v5  }
0x12d: {  	v2 =	vunpack.c.0.s8.s32 v62;
	v63 =	vperm.xlane v1, v3  }
0x12e: {  	v4 =	vand.u32 $0xF, v4;
	v3 =	vperm.xlane v5, v3  }
0x12f: {  	v2 =	vcombine.low v4, v2;
	v1 =	vadd.f32 v63, v1  }
0x130: {  	v3 =	vadd.f32 v3, v5  }
0x131: {  	v4 =	vperm.xlane v1, v2  }
0x132: {  	v2 =	vperm.xlane v3, v2  }
0x133: {  	v1 =	vadd.f32 v4, v1  }
0x134: {  	vm0 =	vmmov $0xf;
	v2 =	vadd.f32 v2, v3  }
0x135: {  	vm14 =	vcmask $0xF14;
	v1 =	vnsel vm0, $0x0, v1  }
0x136: {  	v1 =	vsel vm14, v1, v2  }
0x137: {  	vm15 =	vmmov $0xffff;
	s30 =	simm.s32 $0xE00;
	s31 =	simm.s32 $0x7;
	[tilespmem:$0xE00] =	vst v1  }
0x138: {  	[spmem:s2] =	stream.indirect_vreg.scatter.add.f32 [tilespmem:s30], [sflag:$0x7], $0x1, v0, vm15, $0xb8;
	[tilespmem:$0xF08] =	vst v63  }
0x139: {  	_ =	swait.ge [sflag:s31], $0x10  }
0x13a: {  	[sflag:s31] =	ssyncset.done $0x0  }
0x13b: {  	[sflag:s31] =	ssyncadd.s32 $0xFFFFFFF0  }
0x13c: {  	[bflag:$0x0] =	sbarrier.arrive $0xFFFF  }
0x13d: {  	_ =	sfence.sel @p0 $0x180000  }
0x13e: {  	[bflag:$0x0] =	sbarrier.arrive @p0 $0xFFFF  }
0x13f: {  	_ =	strace @p0 $0x90000047  }
0x140: {  	s4 =	simm.s32 @!p0 $0xE80;
	[bflag:$0x2] =	sbarrier.arrive @p0 $0xFFFF  }
0x141: {  	[tilespmem:s4], [sflag:$0x7] =	stream.linear.gather @!p0 [spmem:s2], $0x80, $0x38;
	[tilespmem:$0xF08] =	vst v63  }
0x142: {  	_ =	swait.ge @!p0 [sflag:s3], $0x80  }
0x143: {  	[sflag:s3] =	ssyncset.done @!p0 $0x0  }
0x144: {  	[sflag:s3] =	ssyncadd.s32 @!p0 $0xFFFFFF80  }
0x145: {  	v0 =	vld @!p0 [tilespmem:$0xE80];
	_ =	sdelay $0x3  }
0x146: {  	v1 =	vimm.s32 @!p0 $0x4  }
0x147: {  	v1 =	vperm.xlane @!p0 v0, v1;
	_ =	sdelay $0x1  }
0x148: {  	v1 =	vadd.f32 @!p0 $9.999999740e-05, v1;
	_ =	sdelay $0x1  }
0x149: {  	(erf) = vrcp.f32 @!p0 v1;
	_ =	sdelay $0x7  }
0x14a: {  	vm0 =	vmmov @!p0 $0xf  }
0x14b: {  	v0 =	vnsel @!p0 vm0, $0x0, v0;
	v1 =	vpop @!p0 (erf)  }
0x14c: {  	v0 =	vmul.f32 @!p0 v1, v0;
	_ =	sdelay $0x1  }
0x14d: {  	s2 =	simm.s32 @!p0 $0x0;
	[tilespmem:$0xE80] =	vst @!p0 v0  }
0x14e: {  	[hbm4b:s1+s2] =	stream.linear.scatter @!p0 [tilespmem:s4], [sflag:$0x7], $0x4, $0x38;
	[tilespmem:$0xF08] =	vst v63  }
0x14f: {  	_ =	swait.ge @!p0 [sflag:s3], $0x4  }
0x150: {  	[sflag:s3] =	ssyncset.done @!p0 $0x0  }
0x151: {  	[sflag:s3] =	ssyncadd.s32 @!p0 $0xFFFFFFFC  }
0x152: {  	_ =	sfence.sel @!p0 $0x180000  }
0x153: {  	[bflag:$0x0] =	sbarrier.arrive @!p0 $0xFFFF  }
0x154: {  	_ =	strace @!p0 $0x90000047  }
0x155: {  	s0 =	sadd.s32 @!p0 $0x100000, s0;
	[bflag:$0x2] =	sbarrier.arrive @!p0 $0xFFFF  }
0x156: {  	[sflag:s0] =	ssyncadd.tile.s32 @!p0 $0x1;
	_ =	shalt  }
.Lfunc_end2:
_tile_overlayer_lowered:
.L_overlay_start_2:
0x157: {  	(tag) =	ssettag $0x2  }
0x158: {  	s0 =	rddreg [dreg:$0x0];
	s2 =	stileid.u32  }
0x159: {  	s1 =	rddreg [dreg:$0x1];
	p0 =	sne.s32 s2, $0x0  }
0x15a: {  	s3 =	rddreg [dreg:$0x2];
	[bflag:$0x3] =	sbarrier.arrive $0xFFFF;
	s2 =	simm.s32 @!p0 $0x1C07  }
0x15b: {  	[timem:s3], [sflag:s2] =	dma.local @!p0 [hbm:s0], s1  }
0x15c: {  	s0 =	simm.s32 @!p0 $0x7  }
0x15d: {  	_ =	swait.ge @!p0 [sflag:s0], s1  }
0x15e: {  	s1 =	ssub.s32 @!p0 $0x0, s1;
	[sflag:s0] =	ssyncset.done @!p0 $0x0  }
0x15f: {  	[sflag:s0] =	ssyncadd.s32 @!p0 s1  }
0x160: {  	[bflag:$0x3] =	sbarrier.arrive $0xFFFF  }
0x161: {  	_ =	shalt  }

</sc_bundles>
